<compile_context>
chip_gen: v7x
topology: tpu7x:2x2x1
jax: 0.10.2.dev20260603
libtpu: 0.0.44.dev20260713+nightly
codegen_flags: <defaults>
</compile_context>

<pallas_src>
import functools

import jax
import jax.numpy as jnp
from jax.experimental import pallas as pl
from jax.experimental.pallas import tpu as pltpu
from jax.experimental.pallas import tpu_sc as plsc

N = 8192
B = 16
D_POS = 30
D_IN = 40
K = 4
C_DELTA = 10
ROW_BLK = 256
D_TAB = D_POS + D_IN


def _knn_gather_kernel(pos_blk_ref, posT, brow, bcol, idx_out):
    pos_blk = pos_blk_ref[...]
    posTv = posT[...]
    sqr = jnp.sum(pos_blk * pos_blk, axis=1, keepdims=True)
    sqc = jnp.sum(posTv * posTv, axis=0, keepdims=True)
    cross = jax.lax.dot_general(
        pos_blk.astype(jnp.bfloat16), posTv.astype(jnp.bfloat16),
        (((1,), (0,)), ((), ())),
        preferred_element_type=jnp.float32)
    d2 = sqr + sqc - 2.0 * cross
    mask = bcol[...] != brow[...]
    d2 = jnp.where(mask, 1e30, d2)

    iota = jax.lax.broadcasted_iota(jnp.int32, (ROW_BLK, N), 1)
    parts = []
    for _ in range(K):
        vmin = jnp.min(d2, axis=1, keepdims=True)
        idx = jnp.min(jnp.where(d2 == vmin, iota, N), axis=1, keepdims=True)
        parts.append(idx.astype(jnp.float32))
        d2 = jnp.where(iota == idx, 3e38, d2)
    idx_out[...] = jnp.concatenate(parts, axis=1)


D_PAD = 128
SC_CHUNK = 512


def _sc_gather(table_pad, idx_flat):
    info = plsc.get_sparse_core_info()
    nw = info.num_cores * info.num_subcores
    bpw = (K * N) // nw
    nchunk = bpw // SC_CHUNK
    mesh = plsc.VectorSubcoreMesh(core_axis_name="c", subcore_axis_name="s")

    @functools.partial(
        pl.kernel, mesh=mesh,
        out_type=jax.ShapeDtypeStruct((K * N, D_PAD), jnp.float32),
        scratch_types=[
            pltpu.VMEM((SC_CHUNK,), jnp.int32),
            pltpu.VMEM((SC_CHUNK, D_PAD), jnp.float32),
            pltpu.SemaphoreType.DMA,
        ],
    )
    def gk(table_hbm, idx_hbm, out_hbm, idx_v, rows_v, sem):
        wid = jax.lax.axis_index("s") * info.num_cores + jax.lax.axis_index("c")
        base = wid * bpw
        for c in range(nchunk):
            off = base + c * SC_CHUNK
            pltpu.sync_copy(idx_hbm.at[pl.ds(off, SC_CHUNK)], idx_v)
            pltpu.async_copy(table_hbm.at[idx_v], rows_v, sem).wait()
            pltpu.sync_copy(rows_v, out_hbm.at[pl.ds(off, SC_CHUNK)])

    return gk(table_pad, idx_flat)


def _elu(v):
    return jnp.where(v > 0, v, jnp.exp(jnp.minimum(v, 0.0)) - 1.0)


CH = 512
NCH = N // CH


def _mlp_kernel(g, pos, brow,
                l1_wT, l1_b, bn1_g, bn1_b, l2_wT, l2_b, bn2_g, bn2_b,
                l3_wT, l3_b, bn3_g, bn3_b, wa, cva_b, bn4_g, bn4_b,
                wb, cvb_b, bn5_g, bn5_b, cvc_r, cvcb_r, lw_r, lb,
                c1_wT, c1_b, bnc1_g, bnc1_b, c2_wT, c2_b, bnc2_g, bnc2_b,
                out, hs, ts):
    eps = 1e-5

    def dot(a, b):
        return jax.lax.dot_general(a.astype(jnp.bfloat16),
                                   b.astype(jnp.bfloat16),
                                   (((1,), (0,)), ((), ())),
                                   preferred_element_type=jnp.float32)

    def xdot(a, b):
        return jax.lax.dot_general(a, b, (((1,), (0,)), ((), ())),
                                   precision=jax.lax.Precision.HIGHEST,
                                   preferred_element_type=jnp.float32)

    def b16(v):
        return v.astype(jnp.bfloat16).astype(jnp.float32)

    l1w = l1_wT[...]; l1bv = l1_b[...]
    l2w = l2_wT[...]; l2bv = l2_b[...]
    l3w = l3_wT[...]; l3bv = l3_b[...]
    wav = wa[...]; cvabv = cva_b[...]
    wbv = wb[...]; cvbbv = cvb_b[...]
    cvc = cvc_r[...]; cvcb = cvcb_r[...]
    lwv = lw_r[...]; lbv = lb[...]

    def stats_pair(arr):
        return (jnp.sum(arr, axis=0, keepdims=True),
                jnp.sum(arr * arr, axis=0, keepdims=True))

    def finalize(s, q, rows, gam, bet):
        m = s / rows
        v = q / rows - m * m
        inv = gam[...] / jnp.sqrt(v + eps)
        return inv, bet[...] - m * inv

    def fold4(v40):
        return sum(v40[:, k * C_DELTA:(k + 1) * C_DELTA] for k in range(K))

    z40 = jnp.zeros((1, K * C_DELTA), jnp.float32)
    z16 = jnp.zeros((1, K * K), jnp.float32)

    def ph1(i, c):
        s40, q40, s16, q16 = c
        sl = pl.ds(i * CH, CH)
        pch = pos[sl, :]
        gks = [g[pl.ds(k * N + i * CH, CH), :] for k in range(K)]
        rel = [gk[:, :D_POS] - pch for gk in gks]
        hcat = jnp.concatenate(
            [_elu(dot(r, l1w) + l1bv) for r in rel], axis=1)
        t1 = _elu(dot(jnp.concatenate(rel, axis=1), l3w) + l3bv)
        hs[sl, :] = hcat
        ts[sl, :] = t1
        a, b2 = stats_pair(hcat)
        c2, d2 = stats_pair(t1)
        return (s40 + a, q40 + b2, s16 + c2, q16 + d2)

    s40, q40, s16, q16 = jax.lax.fori_loop(
        0, NCH, ph1, (z40, z40, z16, z16))
    inv1, sh1 = finalize(fold4(s40), fold4(q40), K * N, bn1_g, bn1_b)
    inv1 = jnp.concatenate([inv1] * K, axis=1)
    sh1 = jnp.concatenate([sh1] * K, axis=1)
    inv3, sh3 = finalize(s16, q16, N, bn3_g, bn3_b)

    def ph2(i, c):
        s40, q40, s16, q16 = c
        sl = pl.ds(i * CH, CH)
        h1 = hs[sl, :] * inv1 + sh1
        hcat = jnp.concatenate(
            [_elu(dot(h1[:, k * C_DELTA:(k + 1) * C_DELTA], l2w) + l2bv)
             for k in range(K)], axis=1)
        t1 = ts[sl, :] * inv3 + sh3
        t2 = _elu(dot(t1, wav) + cvabv)
        hs[sl, :] = hcat
        ts[sl, :] = t2
        a, b2 = stats_pair(hcat)
        c2, d2 = stats_pair(t2)
        return (s40 + a, q40 + b2, s16 + c2, q16 + d2)

    s40, q40, s16, q16 = jax.lax.fori_loop(
        0, NCH, ph2, (z40, z40, z16, z16))
    inv2, sh2 = finalize(fold4(s40), fold4(q40), K * N, bn2_g, bn2_b)
    inv2 = jnp.concatenate([inv2] * K, axis=1)
    sh2 = jnp.concatenate([sh2] * K, axis=1)
    inv4, sh4 = finalize(s16, q16, N, bn4_g, bn4_b)

    def ph3(i, c):
        s16, q16 = c
        sl = pl.ds(i * CH, CH)
        t2 = ts[sl, :] * inv4 + sh4
        t3 = dot(t2, wbv) + cvbbv
        ts[sl, :] = t3
        c2, d2 = stats_pair(t3)
        return (s16 + c2, q16 + d2)

    s16, q16 = jax.lax.fori_loop(0, NCH, ph3, (z16, z16))
    inv5, sh5 = finalize(s16, q16, N, bn5_g, bn5_b)

    def ph4(i, c):
        sums, cnt = c
        sl = pl.ds(i * CH, CH)
        hb = hs[sl, :] * inv2 + sh2
        t = ts[sl, :] * inv5 + sh5
        gks = [g[pl.ds(k * N + i * CH, CH), :] for k in range(K)]
        sk = [b16(jnp.concatenate(
            [hb[:, k * C_DELTA:(k + 1) * C_DELTA],
             gks[k][:, D_POS:D_TAB]], axis=1))
            for k in range(K)]
        tb = b16(t)
        xt = [sum(sk[k] * tb[:, K * k + j:K * k + j + 1] for k in range(K))
              for j in range(K)]
        cvc16 = b16(cvc)
        ych = lbv
        for o in range(3):
            out_o = cvcb[o:o + 1, :]
            for j in range(K):
                out_o = out_o + b16(xt[j]) * cvc16[o * K + j:o * K + j + 1, :]
            ych = ych + dot(out_o, lwv[o * 50:(o + 1) * 50, :])
        bch = brow[:, sl]
        iot = jax.lax.broadcasted_iota(
            jnp.int32, (B, CH), 0).astype(jnp.float32)
        seg = (iot == bch).astype(jnp.float32)
        return (sums + xdot(seg, ych),
                cnt + jnp.sum(seg, axis=1, keepdims=True))

    sums, cnt = jax.lax.fori_loop(
        0, NCH, ph4,
        (jnp.zeros((B, 128), jnp.float32), jnp.zeros((B, 1), jnp.float32)))

    pooled = sums / jnp.maximum(cnt, 1.0)
    z = jnp.maximum(dot(pooled, c1_wT[...]) + c1_b[...], 0.0)
    s1, q1 = stats_pair(z)
    i1, h1 = finalize(s1, q1, B, bnc1_g, bnc1_b)
    z = z * i1 + h1
    z = jnp.maximum(dot(z, c2_wT[...]) + c2_b[...], 0.0)
    s2, q2 = stats_pair(z)
    i2, h2 = finalize(s2, q2, B, bnc2_g, bnc2_b)
    z = z * i2 + h2
    out[...] = 1.0 / (1.0 + jnp.exp(-z))


def kernel(x, pos, batch, num_graphs, l1_w, l1_b, bn1_g, bn1_b, l2_w, l2_b,
           bn2_g, bn2_b, l3_w, l3_b, bn3_g, bn3_b, cva_w, cva_b, bn4_g, bn4_b,
           cvb_w, cvb_b, bn5_g, bn5_b, cvc_w, cvc_b, lw, lb, c1_w, c1_b,
           bnc1_g, bnc1_b, c2_w, c2_b, bnc2_g, bnc2_b):
    del num_graphs
    table = jnp.concatenate(
        [pos, x, jnp.zeros((N, D_PAD - D_TAB), jnp.float32)], axis=1)
    posT = pos.T
    bf = batch.astype(jnp.float32)
    brow = bf.reshape(1, N)
    bcol = bf.reshape(N, 1)

    nblk = N // ROW_BLK
    idxf = pl.pallas_call(
        _knn_gather_kernel,
        grid=(nblk,),
        in_specs=[
            pl.BlockSpec((ROW_BLK, D_POS), lambda i: (i, 0)),
            pl.BlockSpec((D_POS, N), lambda i: (0, 0)),
            pl.BlockSpec((1, N), lambda i: (0, 0)),
            pl.BlockSpec((ROW_BLK, 1), lambda i: (i, 0)),
        ],
        out_specs=pl.BlockSpec((ROW_BLK, K), lambda i: (i, 0)),
        out_shape=jax.ShapeDtypeStruct((N, K), jnp.float32),
        compiler_params=pltpu.CompilerParams(
            dimension_semantics=("parallel",)),
    )(pos, posT, brow, bcol)
    idx_flat = idxf.T.reshape(-1).astype(jnp.int32)
    g = _sc_gather(table, idx_flat)

    eye = jnp.eye(K, dtype=jnp.float32)
    wa = (jnp.einsum('gok,gh->gkho', cva_w, eye)).reshape(K * K, K * K)
    wb = (jnp.einsum('gok,gh->gkho', cvb_w, eye)).reshape(K * K, K * K)
    cvc_r = jnp.transpose(cvc_w, (1, 2, 0)).reshape(3 * K, 50)
    cvcb_r = cvc_b.reshape(50, 3).T
    lw_r = jnp.transpose(lw.reshape(128, 50, 3), (2, 1, 0)).reshape(150, 128)

    args = [
        g, pos, brow,
        l1_w.T, l1_b.reshape(1, -1), bn1_g.reshape(1, -1), bn1_b.reshape(1, -1),
        l2_w.T, l2_b.reshape(1, -1), bn2_g.reshape(1, -1), bn2_b.reshape(1, -1),
        l3_w.T, l3_b.reshape(1, -1), bn3_g.reshape(1, -1), bn3_b.reshape(1, -1),
        wa, cva_b.reshape(1, -1), bn4_g.reshape(1, -1), bn4_b.reshape(1, -1),
        wb, cvb_b.reshape(1, -1), bn5_g.reshape(1, -1), bn5_b.reshape(1, -1),
        cvc_r, cvcb_r, lw_r, lb.reshape(1, -1),
        c1_w.T, c1_b.reshape(1, -1), bnc1_g.reshape(1, -1), bnc1_b.reshape(1, -1),
        c2_w.T, c2_b.reshape(1, -1), bnc2_g.reshape(1, -1), bnc2_b.reshape(1, -1),
    ]
    out = pl.pallas_call(
        _mlp_kernel,
        out_shape=jax.ShapeDtypeStruct((B, 1), jnp.float32),
        scratch_shapes=[
            pltpu.VMEM((N, K * C_DELTA), jnp.float32),
            pltpu.VMEM((N, K * K), jnp.float32),
        ],
    )(*args)
    return out[:, 0]

# --- scband reference (transcript-rebuilt; emitter-appended) ---
"""Pipeline reference for scband-xcn-37391985279554 (READ-ONLY COPY).

The authoritative reference and input builder live on the scoring server;
editing this copy changes nothing except your own understanding.
"""

import jax, jax.numpy as jnp
import numpy as np

N = 8192
B = 16
D_POS = 30
D_IN = 40
K = 4
C_DELTA = 10
C_OUT = 128


def _p(key, shape, scale=0.1):
    return jax.random.normal(key, shape, dtype=jnp.float32) * scale


def setup_inputs(seed: int = 0):
    key = jax.random.key(seed)
    ks = jax.random.split(key, 16)
    inp = {}
    inp['x'] = jax.random.normal(ks[0], (N, D_IN), dtype=jnp.float32)
    inp['pos'] = jax.random.normal(ks[1], (N, D_POS), dtype=jnp.float32)
    inp['batch'] = jnp.sort(jax.random.randint(ks[2], (N,), 0, B))
    inp['num_graphs'] = B
    inp['l1_w'] = _p(ks[3], (C_DELTA, D_POS)); inp['l1_b'] = jnp.zeros((C_DELTA,), jnp.float32)
    inp['bn1_g'] = jnp.ones((C_DELTA,), jnp.float32); inp['bn1_b'] = jnp.zeros((C_DELTA,), jnp.float32)
    inp['l2_w'] = _p(ks[4], (C_DELTA, C_DELTA)); inp['l2_b'] = jnp.zeros((C_DELTA,), jnp.float32)
    inp['bn2_g'] = jnp.ones((C_DELTA,), jnp.float32); inp['bn2_b'] = jnp.zeros((C_DELTA,), jnp.float32)
    inp['l3_w'] = _p(ks[5], (K * K, K * D_POS)); inp['l3_b'] = jnp.zeros((K * K,), jnp.float32)
    inp['bn3_g'] = jnp.ones((K * K,), jnp.float32); inp['bn3_b'] = jnp.zeros((K * K,), jnp.float32)
    inp['cva_w'] = _p(ks[6], (K, K, K)); inp['cva_b'] = jnp.zeros((K * K,), jnp.float32)
    inp['bn4_g'] = jnp.ones((K * K,), jnp.float32); inp['bn4_b'] = jnp.zeros((K * K,), jnp.float32)
    inp['cvb_w'] = _p(ks[7], (K, K, K)); inp['cvb_b'] = jnp.zeros((K * K,), jnp.float32)
    inp['bn5_g'] = jnp.ones((K * K,), jnp.float32); inp['bn5_b'] = jnp.zeros((K * K,), jnp.float32)
    inp['cvc_w'] = _p(ks[8], (50, 3, K)); inp['cvc_b'] = jnp.zeros((150,), jnp.float32)
    inp['lw'] = _p(ks[9], (C_OUT, 150)); inp['lb'] = jnp.zeros((C_OUT,), jnp.float32)
    inp['c1_w'] = _p(ks[10], (256, C_OUT)); inp['c1_b'] = jnp.zeros((256,), jnp.float32)
    inp['bnc1_g'] = jnp.ones((256,), jnp.float32); inp['bnc1_b'] = jnp.zeros((256,), jnp.float32)
    inp['c2_w'] = _p(ks[11], (1, 256)); inp['c2_b'] = jnp.zeros((1,), jnp.float32)
    inp['bnc2_g'] = jnp.ones((1,), jnp.float32); inp['bnc2_b'] = jnp.zeros((1,), jnp.float32)
    return inp


def _bn(x, g, b, eps=1e-5):
    m = jnp.mean(x, axis=0)
    v = jnp.var(x, axis=0)
    return g * (x - m) / jnp.sqrt(v + eps) + b


def _lin(x, w, b):
    return x @ w.T + b


def _gconv(x, w, b):
    # grouped Conv1d with kernel spanning full length: x [N,G,K], w [G,OutPerGroup,K]
    out = jnp.einsum('ngk,gok->ngo', x, w)
    return out.reshape(x.shape[0], -1) + b


def _knn(pos, batch, k):
    sq = jnp.sum(pos * pos, axis=-1)
    d2 = sq[:, None] + sq[None, :] - 2.0 * (pos @ pos.T)
    mask = batch[:, None] != batch[None, :]
    d2 = jnp.where(mask, jnp.inf, d2)
    _, idx = jax.lax.top_k(-d2, k)
    return idx


def _forward(x, pos, l1_w, l1_b, bn1_g, bn1_b, l2_w, l2_b, bn2_g, bn2_b,
             l3_w, l3_b, bn3_g, bn3_b, cva_w, cva_b, bn4_g, bn4_b,
             cvb_w, cvb_b, bn5_g, bn5_b, cvc_w, cvc_b, lw, lb,
             c1_w, c1_b, bnc1_g, bnc1_b, c2_w, c2_b, bnc2_g, bnc2_b,
             batch, num_graphs):
    n = pos.shape[0]
    k = K
    nbr = _knn(pos, batch, k)
    col = nbr.reshape(-1)
    row = jnp.repeat(jnp.arange(n), k)
    rel = pos[col] - pos[row]
    h = jax.nn.elu(_lin(rel, l1_w, l1_b)); h = _bn(h, bn1_g, bn1_b)
    h = jax.nn.elu(_lin(h, l2_w, l2_b)); h = _bn(h, bn2_g, bn2_b)
    h = h.reshape(n, k, C_DELTA)
    xg = x[col].reshape(n, k, D_IN)
    x_star = jnp.concatenate([h, xg], axis=-1)
    x_star = jnp.transpose(x_star, (0, 2, 1))
    t = rel.reshape(n, k * D_POS)
    t = jax.nn.elu(_lin(t, l3_w, l3_b)); t = _bn(t, bn3_g, bn3_b)
    t = t.reshape(n, k, k)
    t = jax.nn.elu(_gconv(t, cva_w, cva_b)); t = _bn(t, bn4_g, bn4_b)
    t = t.reshape(n, k, k)
    t = _gconv(t, cvb_w, cvb_b); t = _bn(t, bn5_g, bn5_b)
    t = t.reshape(n, k, k)
    xt = jnp.matmul(x_star, t)
    o = _gconv(xt, cvc_w, cvc_b)
    o = _lin(o, lw, lb)
    sums = jax.ops.segment_sum(o, batch, num_segments=B) + 0 * num_graphs
    cnt = jax.ops.segment_sum(jnp.ones((n,), jnp.float32), batch, num_segments=B)
    pooled = sums / jnp.maximum(cnt, 1.0)[:, None]
    z = jax.nn.relu(_lin(pooled, c1_w, c1_b)); z = _bn(z, bnc1_g, bnc1_b)
    z = jax.nn.relu(_lin(z, c2_w, c2_b)); z = _bn(z, bnc2_g, bnc2_b)
    return jax.nn.sigmoid(z)[:, 0]


def reference(x, pos, batch, num_graphs, l1_w, l1_b, bn1_g, bn1_b, l2_w, l2_b, bn2_g, bn2_b,
              l3_w, l3_b, bn3_g, bn3_b, cva_w, cva_b, bn4_g, bn4_b,
              cvb_w, cvb_b, bn5_g, bn5_b, cvc_w, cvc_b, lw, lb,
              c1_w, c1_b, bnc1_g, bnc1_b, c2_w, c2_b, bnc2_g, bnc2_b):
    return _forward(x, pos, l1_w, l1_b, bn1_g, bn1_b, l2_w, l2_b, bn2_g, bn2_b,
                    l3_w, l3_b, bn3_g, bn3_b, cva_w, cva_b, bn4_g, bn4_b,
                    cvb_w, cvb_b, bn5_g, bn5_b, cvc_w, cvc_b, lw, lb,
                    c1_w, c1_b, bnc1_g, bnc1_b, c2_w, c2_b, bnc2_g, bnc2_b,
                    batch, num_graphs)

if __name__ == "__main__":
    import jax
    _d = setup_inputs()
    print(jax.jit(kernel)(*tuple(_d.values())))

</pallas_src>

<mosaic_0001>
#map = affine_map<(d0, d1) -> (0, 0)>
#map1 = affine_map<(d0, d1) -> (0)>
module attributes {stable_mosaic.version = 14 : i64} {
  func.func @gk(%arg0: i32, %arg1: i32, %arg2: memref<8192x128xf32, #tpu.memory_space<hbm>>, %arg3: memref<32768xi32, #tpu.memory_space<hbm>>, %arg4: memref<32768x128xf32, #tpu.memory_space<hbm>>, %arg5: memref<512xi32, #tpu.memory_space<vmem>>, %arg6: memref<512x128xf32, #tpu.memory_space<vmem>>, %arg7: memref<!tpu.dma_semaphore, #tpu.memory_space<semaphore_mem>>) attributes {dimension_semantics = [#tpu.dimension_semantics<core_parallel>, #tpu.dimension_semantics<subcore_parallel>], iteration_bounds = array<i64: 2, 16>, scalar_prefetch = 0 : i64, scratch_operands = 3 : i64, tpu.core_type = #tpu.core_type<sc_vector_subcore>, window_params = [{transform_indices = #map}, {transform_indices = #map1}, {transform_indices = #map}]} {
    %mul3A = arith.constant 2 : i32
    %mul3A_0 = arith.muli %arg1, %mul3A : i32
    %add3A = arith.addi %mul3A_0, %arg0 : i32
    %mul3A_1 = arith.constant 1024 : i32
    %mul3A_2 = arith.muli %add3A, %mul3A_1 : i32
    %add3A_3 = arith.constant 0 : i32
    %add3A_4 = arith.addi %mul3A_2, %add3A_3 : i32
    "tpu.region"() ({
      %run_scoped3A = tpu.sem_alloc : memref<!tpu.dma_semaphore, #tpu.memory_space<semaphore_mem>>
      %dma_start3A_17 = tpu.memref_slice %arg3[%add3A_4] : memref<32768xi32, #tpu.memory_space<hbm>> -> memref<512xi32, #tpu.memory_space<hbm>>
      %dma_start3A_18 = tpu.memref_slice %arg3[%add3A_4] : memref<32768xi32, #tpu.memory_space<hbm>> -> memref<512xi32, #tpu.memory_space<hbm>>
      tpu.enqueue_dma source(%dma_start3A_18 : memref<512xi32, #tpu.memory_space<hbm>>) target(%arg5 : memref<512xi32, #tpu.memory_space<vmem>>) target_semaphore(%run_scoped3A : memref<!tpu.dma_semaphore, #tpu.memory_space<semaphore_mem>>)
      %dma_wait3A_19 = tpu.memref_slice %arg3[%add3A_4] : memref<32768xi32, #tpu.memory_space<hbm>> -> memref<512xi32, #tpu.memory_space<hbm>>
      %dma_wait3A_20 = tpu.memref_slice %arg3[%add3A_4] : memref<32768xi32, #tpu.memory_space<hbm>> -> memref<512xi32, #tpu.memory_space<hbm>>
      tpu.wait_dma2 semaphore(%run_scoped3A : memref<!tpu.dma_semaphore, #tpu.memory_space<semaphore_mem>>) src(%dma_wait3A_20 : memref<512xi32, #tpu.memory_space<hbm>>) dst(%arg5 : memref<512xi32, #tpu.memory_space<vmem>>)
      tpu.yield
    }) : () -> ()
    %dma_start3A = arith.constant 0 : i32
    %dma_start3A_5 = arith.constant 0 : i32
    %dma_start3A_6 = tpu.memref_slice %arg2[%dma_start3A, %dma_start3A_5] : memref<8192x128xf32, #tpu.memory_space<hbm>> -> memref<8192x128xf32, #tpu.memory_space<hbm>>
    tpu.enqueue_indirect_dma source(%dma_start3A_6 : memref<8192x128xf32, #tpu.memory_space<hbm>>) target(%arg6 : memref<512x128xf32, #tpu.memory_space<vmem>>) offsets(%arg5 : memref<512xi32, #tpu.memory_space<vmem>>) semaphore(%arg7 : memref<!tpu.dma_semaphore, #tpu.memory_space<semaphore_mem>>)
    %dma_wait3A = arith.constant 0 : i32
    %dma_wait3A_7 = arith.constant 0 : i32
    %dma_wait3A_8 = tpu.memref_slice %arg2[%dma_wait3A, %dma_wait3A_7] : memref<8192x128xf32, #tpu.memory_space<hbm>> -> memref<8192x128xf32, #tpu.memory_space<hbm>>
    tpu.wait_indirect_dma semaphore(%arg7 : memref<!tpu.dma_semaphore, #tpu.memory_space<semaphore_mem>>) src(%dma_wait3A_8 : memref<8192x128xf32, #tpu.memory_space<hbm>>) dst(%arg6 : memref<512x128xf32, #tpu.memory_space<vmem>>)
    "tpu.region"() ({
      %run_scoped3A = tpu.sem_alloc : memref<!tpu.dma_semaphore, #tpu.memory_space<semaphore_mem>>
      %dma_start3A_17 = arith.constant 0 : i32
      %dma_start3A_18 = tpu.memref_slice %arg4[%add3A_4, %dma_start3A_17] : memref<32768x128xf32, #tpu.memory_space<hbm>> -> memref<512x128xf32, #tpu.memory_space<hbm>>
      %dma_start3A_19 = arith.constant 0 : i32
      %dma_start3A_20 = tpu.memref_slice %arg4[%add3A_4, %dma_start3A_19] : memref<32768x128xf32, #tpu.memory_space<hbm>> -> memref<512x128xf32, #tpu.memory_space<hbm>>
      tpu.enqueue_dma source(%arg6 : memref<512x128xf32, #tpu.memory_space<vmem>>) target(%dma_start3A_20 : memref<512x128xf32, #tpu.memory_space<hbm>>) target_semaphore(%run_scoped3A : memref<!tpu.dma_semaphore, #tpu.memory_space<semaphore_mem>>)
      %dma_wait3A_21 = arith.constant 0 : i32
      %dma_wait3A_22 = tpu.memref_slice %arg4[%add3A_4, %dma_wait3A_21] : memref<32768x128xf32, #tpu.memory_space<hbm>> -> memref<512x128xf32, #tpu.memory_space<hbm>>
      %dma_wait3A_23 = arith.constant 0 : i32
      %dma_wait3A_24 = tpu.memref_slice %arg4[%add3A_4, %dma_wait3A_23] : memref<32768x128xf32, #tpu.memory_space<hbm>> -> memref<512x128xf32, #tpu.memory_space<hbm>>
      tpu.wait_dma2 semaphore(%run_scoped3A : memref<!tpu.dma_semaphore, #tpu.memory_space<semaphore_mem>>) src(%arg6 : memref<512x128xf32, #tpu.memory_space<vmem>>) dst(%dma_wait3A_24 : memref<512x128xf32, #tpu.memory_space<hbm>>)
      tpu.yield
    }) : () -> ()
    %add3A_9 = arith.constant 512 : i32
    %add3A_10 = arith.addi %mul3A_2, %add3A_9 : i32
    "tpu.region"() ({
      %run_scoped3A = tpu.sem_alloc : memref<!tpu.dma_semaphore, #tpu.memory_space<semaphore_mem>>
      %dma_start3A_17 = tpu.memref_slice %arg3[%add3A_10] : memref<32768xi32, #tpu.memory_space<hbm>> -> memref<512xi32, #tpu.memory_space<hbm>>
      %dma_start3A_18 = tpu.memref_slice %arg3[%add3A_10] : memref<32768xi32, #tpu.memory_space<hbm>> -> memref<512xi32, #tpu.memory_space<hbm>>
      tpu.enqueue_dma source(%dma_start3A_18 : memref<512xi32, #tpu.memory_space<hbm>>) target(%arg5 : memref<512xi32, #tpu.memory_space<vmem>>) target_semaphore(%run_scoped3A : memref<!tpu.dma_semaphore, #tpu.memory_space<semaphore_mem>>)
      %dma_wait3A_19 = tpu.memref_slice %arg3[%add3A_10] : memref<32768xi32, #tpu.memory_space<hbm>> -> memref<512xi32, #tpu.memory_space<hbm>>
      %dma_wait3A_20 = tpu.memref_slice %arg3[%add3A_10] : memref<32768xi32, #tpu.memory_space<hbm>> -> memref<512xi32, #tpu.memory_space<hbm>>
      tpu.wait_dma2 semaphore(%run_scoped3A : memref<!tpu.dma_semaphore, #tpu.memory_space<semaphore_mem>>) src(%dma_wait3A_20 : memref<512xi32, #tpu.memory_space<hbm>>) dst(%arg5 : memref<512xi32, #tpu.memory_space<vmem>>)
      tpu.yield
    }) : () -> ()
    %dma_start3A_11 = arith.constant 0 : i32
    %dma_start3A_12 = arith.constant 0 : i32
    %dma_start3A_13 = tpu.memref_slice %arg2[%dma_start3A_11, %dma_start3A_12] : memref<8192x128xf32, #tpu.memory_space<hbm>> -> memref<8192x128xf32, #tpu.memory_space<hbm>>
    tpu.enqueue_indirect_dma source(%dma_start3A_13 : memref<8192x128xf32, #tpu.memory_space<hbm>>) target(%arg6 : memref<512x128xf32, #tpu.memory_space<vmem>>) offsets(%arg5 : memref<512xi32, #tpu.memory_space<vmem>>) semaphore(%arg7 : memref<!tpu.dma_semaphore, #tpu.memory_space<semaphore_mem>>)
    %dma_wait3A_14 = arith.constant 0 : i32
    %dma_wait3A_15 = arith.constant 0 : i32
    %dma_wait3A_16 = tpu.memref_slice %arg2[%dma_wait3A_14, %dma_wait3A_15] : memref<8192x128xf32, #tpu.memory_space<hbm>> -> memref<8192x128xf32, #tpu.memory_space<hbm>>
    tpu.wait_indirect_dma semaphore(%arg7 : memref<!tpu.dma_semaphore, #tpu.memory_space<semaphore_mem>>) src(%dma_wait3A_16 : memref<8192x128xf32, #tpu.memory_space<hbm>>) dst(%arg6 : memref<512x128xf32, #tpu.memory_space<vmem>>)
    "tpu.region"() ({
      %run_scoped3A = tpu.sem_alloc : memref<!tpu.dma_semaphore, #tpu.memory_space<semaphore_mem>>
      %dma_start3A_17 = arith.constant 0 : i32
      %dma_start3A_18 = tpu.memref_slice %arg4[%add3A_10, %dma_start3A_17] : memref<32768x128xf32, #tpu.memory_space<hbm>> -> memref<512x128xf32, #tpu.memory_space<hbm>>
      %dma_start3A_19 = arith.constant 0 : i32
      %dma_start3A_20 = tpu.memref_slice %arg4[%add3A_10, %dma_start3A_19] : memref<32768x128xf32, #tpu.memory_space<hbm>> -> memref<512x128xf32, #tpu.memory_space<hbm>>
      tpu.enqueue_dma source(%arg6 : memref<512x128xf32, #tpu.memory_space<vmem>>) target(%dma_start3A_20 : memref<512x128xf32, #tpu.memory_space<hbm>>) target_semaphore(%run_scoped3A : memref<!tpu.dma_semaphore, #tpu.memory_space<semaphore_mem>>)
      %dma_wait3A_21 = arith.constant 0 : i32
      %dma_wait3A_22 = tpu.memref_slice %arg4[%add3A_10, %dma_wait3A_21] : memref<32768x128xf32, #tpu.memory_space<hbm>> -> memref<512x128xf32, #tpu.memory_space<hbm>>
      %dma_wait3A_23 = arith.constant 0 : i32
      %dma_wait3A_24 = tpu.memref_slice %arg4[%add3A_10, %dma_wait3A_23] : memref<32768x128xf32, #tpu.memory_space<hbm>> -> memref<512x128xf32, #tpu.memory_space<hbm>>
      tpu.wait_dma2 semaphore(%run_scoped3A : memref<!tpu.dma_semaphore, #tpu.memory_space<semaphore_mem>>) src(%arg6 : memref<512x128xf32, #tpu.memory_space<vmem>>) dst(%dma_wait3A_24 : memref<512x128xf32, #tpu.memory_space<hbm>>)
      tpu.yield
    }) : () -> ()
    return
  }
}

module attributes {stable_mosaic.version = 14 : i64} {
  func.func @_knn_gather_kernel(%arg0: i32, %arg1: memref<256x30xf32, #tpu.memory_space<vmem>>, %arg2: memref<30x8192xf32, #tpu.memory_space<vmem>>, %arg3: memref<1x8192xf32, #tpu.memory_space<vmem>>, %arg4: memref<256x1xf32, #tpu.memory_space<vmem>>, %arg5: memref<256x4xf32, #tpu.memory_space<vmem>>) attributes {dimension_semantics = [#tpu.dimension_semantics<parallel>], iteration_bounds = array<i64: 32>, scalar_prefetch = 0 : i64, scratch_operands = 0 : i64, tpu.core_type = #tpu.core_type<tc>, window_params = [{transform_indices = @transform_0, window_bounds = array<i64: 256, 30>}, {pipeline_mode = #tpu.pipeline_mode<synchronous>, transform_indices = @transform_1, window_bounds = array<i64: 30, 8192>}, {pipeline_mode = #tpu.pipeline_mode<synchronous>, transform_indices = @transform_2, window_bounds = array<i64: 1, 8192>}, {transform_indices = @transform_3, window_bounds = array<i64: 256, 1>}, {transform_indices = @transform_4, window_bounds = array<i64: 256, 4>}]} {
    %get3A = arith.constant 0 : index
    %get3A_0 = arith.constant 0 : index
    %get3A_1 = vector.load %arg1[%get3A, %get3A_0] : memref<256x30xf32, #tpu.memory_space<vmem>>, vector<256x30xf32>
    %get3A_2 = arith.constant 0 : index
    %get3A_3 = arith.constant 0 : index
    %get3A_4 = vector.load %arg2[%get3A_2, %get3A_3] : memref<30x8192xf32, #tpu.memory_space<vmem>>, vector<30x8192xf32>
    %mul3A = arith.mulf %get3A_1, %get3A_1 : vector<256x30xf32>
    %reduce_sum3A = arith.constant dense<0.000000e+00> : vector<256xf32>
    %reduce_sum3A_5 = vector.multi_reduction <add>, %mul3A, %reduce_sum3A [1] : vector<256x30xf32> to vector<256xf32>
    %broadcast_in_dim3A = vector.shape_cast %reduce_sum3A_5 : vector<256xf32> to vector<256x1xf32>
    %mul3A_6 = arith.mulf %get3A_4, %get3A_4 : vector<30x8192xf32>
    %reduce_sum3A_7 = arith.constant dense<0.000000e+00> : vector<8192xf32>
    %reduce_sum3A_8 = vector.multi_reduction <add>, %mul3A_6, %reduce_sum3A_7 [0] : vector<30x8192xf32> to vector<8192xf32>
    %broadcast_in_dim3A_9 = vector.shape_cast %reduce_sum3A_8 : vector<8192xf32> to vector<1x8192xf32>
    %convert_element_type3A = arith.truncf %get3A_1 : vector<256x30xf32> to vector<256x30xbf16>
    %convert_element_type3A_10 = arith.truncf %get3A_4 : vector<30x8192xf32> to vector<30x8192xbf16>
    %dot_general3A = arith.constant dense<0.000000e+00> : vector<256x8192xf32>
    %dot_general3A_11 = tpu.matmul %convert_element_type3A, %convert_element_type3A_10, %dot_general3A {dimension_numbers = #tpu.dot_dimension_numbers<[1], [0], [0], [1], [0, 0, 1, 1], [], []>, transpose_lhs_hint = false} : vector<256x30xbf16>, vector<30x8192xbf16>, vector<256x8192xf32> -> vector<256x8192xf32>
    %add3A = vector.broadcast %broadcast_in_dim3A : vector<256x1xf32> to vector<256x8192xf32>
    %add3A_12 = vector.broadcast %broadcast_in_dim3A_9 : vector<1x8192xf32> to vector<256x8192xf32>
    %add3A_13 = arith.addf %add3A, %add3A_12 : vector<256x8192xf32>
    %mul3A_14 = arith.constant 2.000000e+00 : f32
    %mul3A_15 = vector.broadcast %mul3A_14 : f32 to vector<256x8192xf32>
    %mul3A_16 = arith.mulf %mul3A_15, %dot_general3A_11 : vector<256x8192xf32>
    %sub3A = arith.subf %add3A_13, %mul3A_16 : vector<256x8192xf32>
    %get3A_17 = arith.constant 0 : index
    %get3A_18 = arith.constant 0 : index
    %get3A_19 = vector.load %arg4[%get3A_17, %get3A_18] : memref<256x1xf32, #tpu.memory_space<vmem>>, vector<256x1xf32>
    %get3A_20 = arith.constant 0 : index
    %get3A_21 = arith.constant 0 : index
    %get3A_22 = vector.load %arg3[%get3A_20, %get3A_21] : memref<1x8192xf32, #tpu.memory_space<vmem>>, vector<1x8192xf32>
    %ne3A = vector.broadcast %get3A_19 : vector<256x1xf32> to vector<256x8192xf32>
    %ne3A_23 = vector.broadcast %get3A_22 : vector<1x8192xf32> to vector<256x8192xf32>
    %ne3A_24 = arith.cmpf one, %ne3A, %ne3A_23 : vector<256x8192xf32>
    %jit3A = arith.constant 1.000000e+30 : f32
    %broadcast_in_dim3A_25 = vector.broadcast %jit3A : f32 to vector<256x8192xf32>
    %select_n3A = arith.select %ne3A_24, %broadcast_in_dim3A_25, %sub3A : vector<256x8192xi1>, vector<256x8192xf32>
    %iota3A = tpu.iota {dimensions = array<i32: 1>} : vector<256x8192xi32>
    %reduce_min3A = arith.constant dense<0x7F800000> : vector<256xf32>
    %reduce_min3A_26 = vector.multi_reduction <minimumf>, %select_n3A, %reduce_min3A [1] : vector<256x8192xf32> to vector<256xf32>
    %broadcast_in_dim3A_27 = vector.shape_cast %reduce_min3A_26 : vector<256xf32> to vector<256x1xf32>
    %eq3A = vector.broadcast %broadcast_in_dim3A_27 : vector<256x1xf32> to vector<256x8192xf32>
    %eq3A_28 = arith.cmpf oeq, %select_n3A, %eq3A : vector<256x8192xf32>
    %jit3A_29 = arith.constant 8192 : i32
    %broadcast_in_dim3A_30 = vector.broadcast %jit3A_29 : i32 to vector<256x8192xi32>
    %select_n3A_31 = arith.select %eq3A_28, %iota3A, %broadcast_in_dim3A_30 : vector<256x8192xi1>, vector<256x8192xi32>
    %reduce_min3A_32 = arith.constant dense<2147483647> : vector<256xi32>
    %reduce_min3A_33 = vector.multi_reduction <minsi>, %select_n3A_31, %reduce_min3A_32 [1] : vector<256x8192xi32> to vector<256xi32>
    %broadcast_in_dim3A_34 = vector.shape_cast %reduce_min3A_33 : vector<256xi32> to vector<256x1xi32>
    %convert_element_type3A_35 = arith.sitofp %broadcast_in_dim3A_34 : vector<256x1xi32> to vector<256x1xf32>
    %eq3A_36 = vector.broadcast %broadcast_in_dim3A_34 : vector<256x1xi32> to vector<256x8192xi32>
    %eq3A_37 = arith.cmpi eq, %iota3A, %eq3A_36 : vector<256x8192xi32>
    %jit3A_38 = arith.constant 3.000000e+38 : f32
    %broadcast_in_dim3A_39 = vector.broadcast %jit3A_38 : f32 to vector<256x8192xf32>
    %select_n3A_40 = arith.select %eq3A_37, %broadcast_in_dim3A_39, %select_n3A : vector<256x8192xi1>, vector<256x8192xf32>
    %reduce_min3A_41 = arith.constant dense<0x7F800000> : vector<256xf32>
    %reduce_min3A_42 = vector.multi_reduction <minimumf>, %select_n3A_40, %reduce_min3A_41 [1] : vector<256x8192xf32> to vector<256xf32>
    %broadcast_in_dim3A_43 = vector.shape_cast %reduce_min3A_42 : vector<256xf32> to vector<256x1xf32>
    %eq3A_44 = vector.broadcast %broadcast_in_dim3A_43 : vector<256x1xf32> to vector<256x8192xf32>
    %eq3A_45 = arith.cmpf oeq, %select_n3A_40, %eq3A_44 : vector<256x8192xf32>
    %jit3A_46 = arith.constant 8192 : i32
    %broadcast_in_dim3A_47 = vector.broadcast %jit3A_46 : i32 to vector<256x8192xi32>
    %select_n3A_48 = arith.select %eq3A_45, %iota3A, %broadcast_in_dim3A_47 : vector<256x8192xi1>, vector<256x8192xi32>
    %reduce_min3A_49 = arith.constant dense<2147483647> : vector<256xi32>
    %reduce_min3A_50 = vector.multi_reduction <minsi>, %select_n3A_48, %reduce_min3A_49 [1] : vector<256x8192xi32> to vector<256xi32>
    %broadcast_in_dim3A_51 = vector.shape_cast %reduce_min3A_50 : vector<256xi32> to vector<256x1xi32>
    %convert_element_type3A_52 = arith.sitofp %broadcast_in_dim3A_51 : vector<256x1xi32> to vector<256x1xf32>
    %eq3A_53 = vector.broadcast %broadcast_in_dim3A_51 : vector<256x1xi32> to vector<256x8192xi32>
    %eq3A_54 = arith.cmpi eq, %iota3A, %eq3A_53 : vector<256x8192xi32>
    %jit3A_55 = arith.constant 3.000000e+38 : f32
    %broadcast_in_dim3A_56 = vector.broadcast %jit3A_55 : f32 to vector<256x8192xf32>
    %select_n3A_57 = arith.select %eq3A_54, %broadcast_in_dim3A_56, %select_n3A_40 : vector<256x8192xi1>, vector<256x8192xf32>
    %reduce_min3A_58 = arith.constant dense<0x7F800000> : vector<256xf32>
    %reduce_min3A_59 = vector.multi_reduction <minimumf>, %select_n3A_57, %reduce_min3A_58 [1] : vector<256x8192xf32> to vector<256xf32>
    %broadcast_in_dim3A_60 = vector.shape_cast %reduce_min3A_59 : vector<256xf32> to vector<256x1xf32>
    %eq3A_61 = vector.broadcast %broadcast_in_dim3A_60 : vector<256x1xf32> to vector<256x8192xf32>
    %eq3A_62 = arith.cmpf oeq, %select_n3A_57, %eq3A_61 : vector<256x8192xf32>
    %jit3A_63 = arith.constant 8192 : i32
    %broadcast_in_dim3A_64 = vector.broadcast %jit3A_63 : i32 to vector<256x8192xi32>
    %select_n3A_65 = arith.select %eq3A_62, %iota3A, %broadcast_in_dim3A_64 : vector<256x8192xi1>, vector<256x8192xi32>
    %reduce_min3A_66 = arith.constant dense<2147483647> : vector<256xi32>
    %reduce_min3A_67 = vector.multi_reduction <minsi>, %select_n3A_65, %reduce_min3A_66 [1] : vector<256x8192xi32> to vector<256xi32>
    %broadcast_in_dim3A_68 = vector.shape_cast %reduce_min3A_67 : vector<256xi32> to vector<256x1xi32>
    %convert_element_type3A_69 = arith.sitofp %broadcast_in_dim3A_68 : vector<256x1xi32> to vector<256x1xf32>
    %eq3A_70 = vector.broadcast %broadcast_in_dim3A_68 : vector<256x1xi32> to vector<256x8192xi32>
    %eq3A_71 = arith.cmpi eq, %iota3A, %eq3A_70 : vector<256x8192xi32>
    %jit3A_72 = arith.constant 3.000000e+38 : f32
    %broadcast_in_dim3A_73 = vector.broadcast %jit3A_72 : f32 to vector<256x8192xf32>
    %select_n3A_74 = arith.select %eq3A_71, %broadcast_in_dim3A_73, %select_n3A_57 : vector<256x8192xi1>, vector<256x8192xf32>
    %reduce_min3A_75 = arith.constant dense<0x7F800000> : vector<256xf32>
    %reduce_min3A_76 = vector.multi_reduction <minimumf>, %select_n3A_74, %reduce_min3A_75 [1] : vector<256x8192xf32> to vector<256xf32>
    %broadcast_in_dim3A_77 = vector.shape_cast %reduce_min3A_76 : vector<256xf32> to vector<256x1xf32>
    %eq3A_78 = vector.broadcast %broadcast_in_dim3A_77 : vector<256x1xf32> to vector<256x8192xf32>
    %eq3A_79 = arith.cmpf oeq, %select_n3A_74, %eq3A_78 : vector<256x8192xf32>
    %jit3A_80 = arith.constant 8192 : i32
    %broadcast_in_dim3A_81 = vector.broadcast %jit3A_80 : i32 to vector<256x8192xi32>
    %select_n3A_82 = arith.select %eq3A_79, %iota3A, %broadcast_in_dim3A_81 : vector<256x8192xi1>, vector<256x8192xi32>
    %reduce_min3A_83 = arith.constant dense<2147483647> : vector<256xi32>
    %reduce_min3A_84 = vector.multi_reduction <minsi>, %select_n3A_82, %reduce_min3A_83 [1] : vector<256x8192xi32> to vector<256xi32>
    %broadcast_in_dim3A_85 = vector.shape_cast %reduce_min3A_84 : vector<256xi32> to vector<256x1xi32>
    %convert_element_type3A_86 = arith.sitofp %broadcast_in_dim3A_85 : vector<256x1xi32> to vector<256x1xf32>
    %concatenate3A = tpu.concatenate %convert_element_type3A_35, %convert_element_type3A_52, %convert_element_type3A_69, %convert_element_type3A_86 in 1 : vector<256x1xf32>, vector<256x1xf32>, vector<256x1xf32>, vector<256x1xf32> -> vector<256x4xf32>
    %swap3A = arith.constant 0 : index
    %swap3A_87 = arith.constant 0 : index
    %swap3A_88 = vector.load %arg5[%swap3A, %swap3A_87] : memref<256x4xf32, #tpu.memory_space<vmem>>, vector<256x4xf32>
    tpu.vector_store %arg5[%swap3A, %swap3A_87], %concatenate3A {strides = array<i32>} : memref<256x4xf32, #tpu.memory_space<vmem>>, vector<256x4xf32>,
    return
  }
  func.func @transform_0(%arg0: i32) -> (i32, i32) {
    %c0_i32 = arith.constant 0 : i32
    %c0_i32_0 = arith.constant 0 : i32
    return %arg0, %c0_i32 : i32, i32
  }
  func.func @transform_1(%arg0: i32) -> (i32, i32) {
    %c0_i32 = arith.constant 0 : i32
    %c0_i32_0 = arith.constant 0 : i32
    %c0_i32_1 = arith.constant 0 : i32
    return %c0_i32, %c0_i32_0 : i32, i32
  }
  func.func @transform_2(%arg0: i32) -> (i32, i32) {
    %c0_i32 = arith.constant 0 : i32
    %c0_i32_0 = arith.constant 0 : i32
    %c0_i32_1 = arith.constant 0 : i32
    return %c0_i32, %c0_i32_0 : i32, i32
  }
  func.func @transform_3(%arg0: i32) -> (i32, i32) {
    %c0_i32 = arith.constant 0 : i32
    %c0_i32_0 = arith.constant 0 : i32
    return %arg0, %c0_i32 : i32, i32
  }
  func.func @transform_4(%arg0: i32) -> (i32, i32) {
    %c0_i32 = arith.constant 0 : i32
    %c0_i32_0 = arith.constant 0 : i32
    return %arg0, %c0_i32 : i32, i32
  }
}

module attributes {stable_mosaic.version = 14 : i64} {
  func.func @_mlp_kernel(%arg0: memref<32768x128xf32, #tpu.memory_space<vmem>>, %arg1: memref<8192x30xf32, #tpu.memory_space<vmem>>, %arg2: memref<1x8192xf32, #tpu.memory_space<vmem>>, %arg3: memref<30x10xf32, #tpu.memory_space<vmem>>, %arg4: memref<1x10xf32, #tpu.memory_space<vmem>>, %arg5: memref<1x10xf32, #tpu.memory_space<vmem>>, %arg6: memref<1x10xf32, #tpu.memory_space<vmem>>, %arg7: memref<10x10xf32, #tpu.memory_space<vmem>>, %arg8: memref<1x10xf32, #tpu.memory_space<vmem>>, %arg9: memref<1x10xf32, #tpu.memory_space<vmem>>, %arg10: memref<1x10xf32, #tpu.memory_space<vmem>>, %arg11: memref<120x16xf32, #tpu.memory_space<vmem>>, %arg12: memref<1x16xf32, #tpu.memory_space<vmem>>, %arg13: memref<1x16xf32, #tpu.memory_space<vmem>>, %arg14: memref<1x16xf32, #tpu.memory_space<vmem>>, %arg15: memref<16x16xf32, #tpu.memory_space<vmem>>, %arg16: memref<1x16xf32, #tpu.memory_space<vmem>>, %arg17: memref<1x16xf32, #tpu.memory_space<vmem>>, %arg18: memref<1x16xf32, #tpu.memory_space<vmem>>, %arg19: memref<16x16xf32, #tpu.memory_space<vmem>>, %arg20: memref<1x16xf32, #tpu.memory_space<vmem>>, %arg21: memref<1x16xf32, #tpu.memory_space<vmem>>, %arg22: memref<1x16xf32, #tpu.memory_space<vmem>>, %arg23: memref<12x50xf32, #tpu.memory_space<vmem>>, %arg24: memref<3x50xf32, #tpu.memory_space<vmem>>, %arg25: memref<150x128xf32, #tpu.memory_space<vmem>>, %arg26: memref<1x128xf32, #tpu.memory_space<vmem>>, %arg27: memref<128x256xf32, #tpu.memory_space<vmem>>, %arg28: memref<1x256xf32, #tpu.memory_space<vmem>>, %arg29: memref<1x256xf32, #tpu.memory_space<vmem>>, %arg30: memref<1x256xf32, #tpu.memory_space<vmem>>, %arg31: memref<256x1xf32, #tpu.memory_space<vmem>>, %arg32: memref<1x1xf32, #tpu.memory_space<vmem>>, %arg33: memref<1x1xf32, #tpu.memory_space<vmem>>, %arg34: memref<1x1xf32, #tpu.memory_space<vmem>>, %arg35: memref<16x1xf32, #tpu.memory_space<vmem>>, %arg36: memref<8192x40xf32, #tpu.memory_space<vmem>>, %arg37: memref<8192x16xf32, #tpu.memory_space<vmem>>) attributes {dimension_semantics = [], scalar_prefetch = 0 : i64, scratch_operands = 2 : i64, tpu.core_type = #tpu.core_type<tc>} {
    %get3A = arith.constant 0 : index
    %get3A_0 = arith.constant 0 : index
    %get3A_1 = vector.load %arg3[%get3A, %get3A_0] : memref<30x10xf32, #tpu.memory_space<vmem>>, vector<30x10xf32>
    %get3A_2 = arith.constant 0 : index
    %get3A_3 = arith.constant 0 : index
    %get3A_4 = vector.load %arg4[%get3A_2, %get3A_3] : memref<1x10xf32, #tpu.memory_space<vmem>>, vector<1x10xf32>
    %get3A_5 = arith.constant 0 : index
    %get3A_6 = arith.constant 0 : index
    %get3A_7 = vector.load %arg7[%get3A_5, %get3A_6] : memref<10x10xf32, #tpu.memory_space<vmem>>, vector<10x10xf32>
    %get3A_8 = arith.constant 0 : index
    %get3A_9 = arith.constant 0 : index
    %get3A_10 = vector.load %arg8[%get3A_8, %get3A_9] : memref<1x10xf32, #tpu.memory_space<vmem>>, vector<1x10xf32>
    %get3A_11 = arith.constant 0 : index
    %get3A_12 = arith.constant 0 : index
    %get3A_13 = vector.load %arg11[%get3A_11, %get3A_12] : memref<120x16xf32, #tpu.memory_space<vmem>>, vector<120x16xf32>
    %get3A_14 = arith.constant 0 : index
    %get3A_15 = arith.constant 0 : index
    %get3A_16 = vector.load %arg12[%get3A_14, %get3A_15] : memref<1x16xf32, #tpu.memory_space<vmem>>, vector<1x16xf32>
    %get3A_17 = arith.constant 0 : index
    %get3A_18 = arith.constant 0 : index
    %get3A_19 = vector.load %arg15[%get3A_17, %get3A_18] : memref<16x16xf32, #tpu.memory_space<vmem>>, vector<16x16xf32>
    %get3A_20 = arith.constant 0 : index
    %get3A_21 = arith.constant 0 : index
    %get3A_22 = vector.load %arg16[%get3A_20, %get3A_21] : memref<1x16xf32, #tpu.memory_space<vmem>>, vector<1x16xf32>
    %get3A_23 = arith.constant 0 : index
    %get3A_24 = arith.constant 0 : index
    %get3A_25 = vector.load %arg19[%get3A_23, %get3A_24] : memref<16x16xf32, #tpu.memory_space<vmem>>, vector<16x16xf32>
    %get3A_26 = arith.constant 0 : index
    %get3A_27 = arith.constant 0 : index
    %get3A_28 = vector.load %arg20[%get3A_26, %get3A_27] : memref<1x16xf32, #tpu.memory_space<vmem>>, vector<1x16xf32>
    %get3A_29 = arith.constant 0 : index
    %get3A_30 = arith.constant 0 : index
    %get3A_31 = vector.load %arg23[%get3A_29, %get3A_30] : memref<12x50xf32, #tpu.memory_space<vmem>>, vector<12x50xf32>
    %get3A_32 = arith.constant 0 : index
    %get3A_33 = arith.constant 0 : index
    %get3A_34 = vector.load %arg24[%get3A_32, %get3A_33] : memref<3x50xf32, #tpu.memory_space<vmem>>, vector<3x50xf32>
    %get3A_35 = arith.constant 0 : index
    %get3A_36 = arith.constant 0 : index
    %get3A_37 = vector.load %arg25[%get3A_35, %get3A_36] : memref<150x128xf32, #tpu.memory_space<vmem>>, vector<150x128xf32>
    %get3A_38 = arith.constant 0 : index
    %get3A_39 = arith.constant 0 : index
    %get3A_40 = vector.load %arg26[%get3A_38, %get3A_39] : memref<1x128xf32, #tpu.memory_space<vmem>>, vector<1x128xf32>
    %broadcast_in_dim3A = arith.constant 0.000000e+00 : f32
    %broadcast_in_dim3A_41 = vector.broadcast %broadcast_in_dim3A : f32 to vector<1x40xf32>
    %broadcast_in_dim3A_42 = arith.constant 0.000000e+00 : f32
    %broadcast_in_dim3A_43 = vector.broadcast %broadcast_in_dim3A_42 : f32 to vector<1x16xf32>
    %scan3A = arith.constant 0 : i32
    %scan3A_44 = arith.constant 16 : i32
    %scan3A_45 = arith.addi %scan3A, %scan3A_44 : i32
    %scan3A_46 = arith.constant 1 : i32
    %scan3A_47:4 = scf.for %scan3A_318 = %scan3A to %scan3A_45 step %scan3A_46 iter_args(%scan3A_319 = %broadcast_in_dim3A_41, %scan3A_320 = %broadcast_in_dim3A_41, %scan3A_321 = %broadcast_in_dim3A_43, %scan3A_322 = %broadcast_in_dim3A_43) -> (vector<1x40xf32>, vector<1x40xf32>, vector<1x16xf32>, vector<1x16xf32>)  : i32 {
      %mul3A_323 = arith.constant 512 : i32
      %mul3A_324 = arith.muli %scan3A_318, %mul3A_323 : i32
      %get3A_325 = arith.index_cast %mul3A_324 : i32 to index
      %get3A_326 = arith.constant 0 : index
      %get3A_327 = vector.load %arg1[%get3A_325, %get3A_326] : memref<8192x30xf32, #tpu.memory_space<vmem>>, vector<512x30xf32>
      %mul3A_328 = arith.constant 512 : i32
      %mul3A_329 = arith.muli %scan3A_318, %mul3A_328 : i32
      %add3A_330 = arith.constant 0 : i32
      %add3A_331 = arith.addi %add3A_330, %mul3A_329 : i32
      %get3A_332 = arith.index_cast %add3A_331 : i32 to index
      %get3A_333 = arith.constant 0 : index
      %get3A_334 = vector.load %arg0[%get3A_332, %get3A_333] : memref<32768x128xf32, #tpu.memory_space<vmem>>, vector<512x128xf32>
      %mul3A_335 = arith.constant 512 : i32
      %mul3A_336 = arith.muli %scan3A_318, %mul3A_335 : i32
      %add3A_337 = arith.constant 8192 : i32
      %add3A_338 = arith.addi %add3A_337, %mul3A_336 : i32
      %get3A_339 = arith.index_cast %add3A_338 : i32 to index
      %get3A_340 = arith.constant 0 : index
      %get3A_341 = vector.load %arg0[%get3A_339, %get3A_340] : memref<32768x128xf32, #tpu.memory_space<vmem>>, vector<512x128xf32>
      %mul3A_342 = arith.constant 512 : i32
      %mul3A_343 = arith.muli %scan3A_318, %mul3A_342 : i32
      %add3A_344 = arith.constant 16384 : i32
      %add3A_345 = arith.addi %add3A_344, %mul3A_343 : i32
      %get3A_346 = arith.index_cast %add3A_345 : i32 to index
      %get3A_347 = arith.constant 0 : index
      %get3A_348 = vector.load %arg0[%get3A_346, %get3A_347] : memref<32768x128xf32, #tpu.memory_space<vmem>>, vector<512x128xf32>
      %mul3A_349 = arith.constant 512 : i32
      %mul3A_350 = arith.muli %scan3A_318, %mul3A_349 : i32
      %add3A_351 = arith.constant 24576 : i32
      %add3A_352 = arith.addi %add3A_351, %mul3A_350 : i32
      %get3A_353 = arith.index_cast %add3A_352 : i32 to index
      %get3A_354 = arith.constant 0 : index
      %get3A_355 = vector.load %arg0[%get3A_353, %get3A_354] : memref<32768x128xf32, #tpu.memory_space<vmem>>, vector<512x128xf32>
      %slice3A_356 = vector.extract_strided_slice %get3A_334 {offsets = [0, 0], sizes = [512, 30], strides = [1, 1]} : vector<512x128xf32> to vector<512x30xf32>
      %sub3A_357 = arith.subf %slice3A_356, %get3A_327 : vector<512x30xf32>
      %slice3A_358 = vector.extract_strided_slice %get3A_341 {offsets = [0, 0], sizes = [512, 30], strides = [1, 1]} : vector<512x128xf32> to vector<512x30xf32>
      %sub3A_359 = arith.subf %slice3A_358, %get3A_327 : vector<512x30xf32>
      %slice3A_360 = vector.extract_strided_slice %get3A_348 {offsets = [0, 0], sizes = [512, 30], strides = [1, 1]} : vector<512x128xf32> to vector<512x30xf32>
      %sub3A_361 = arith.subf %slice3A_360, %get3A_327 : vector<512x30xf32>
      %slice3A_362 = vector.extract_strided_slice %get3A_355 {offsets = [0, 0], sizes = [512, 30], strides = [1, 1]} : vector<512x128xf32> to vector<512x30xf32>
      %sub3A_363 = arith.subf %slice3A_362, %get3A_327 : vector<512x30xf32>
      %convert_element_type3A_364 = arith.truncf %sub3A_357 : vector<512x30xf32> to vector<512x30xbf16>
      %convert_element_type3A_365 = arith.truncf %get3A_1 : vector<30x10xf32> to vector<30x10xbf16>
      %dot_general3A_366 = arith.constant dense<0.000000e+00> : vector<512x10xf32>
      %dot_general3A_367 = tpu.matmul %convert_element_type3A_364, %convert_element_type3A_365, %dot_general3A_366 {dimension_numbers = #tpu.dot_dimension_numbers<[1], [0], [0], [1], [0, 0, 1, 1], [], []>, transpose_lhs_hint = false} : vector<512x30xbf16>, vector<30x10xbf16>, vector<512x10xf32> -> vector<512x10xf32>
      %add3A_368 = vector.broadcast %get3A_4 : vector<1x10xf32> to vector<512x10xf32>
      %add3A_369 = arith.addf %dot_general3A_367, %add3A_368 : vector<512x10xf32>
      %gt3A = arith.constant 0.000000e+00 : f32
      %gt3A_370 = vector.broadcast %gt3A : f32 to vector<512x10xf32>
      %gt3A_371 = arith.cmpf ogt, %add3A_369, %gt3A_370 : vector<512x10xf32>
      %min3A = arith.constant 0.000000e+00 : f32
      %min3A_372 = vector.broadcast %min3A : f32 to vector<512x10xf32>
      %min3A_373 = arith.minimumf %add3A_369, %min3A_372 : vector<512x10xf32>
      %exp3A_374 = math.exp %min3A_373 : vector<512x10xf32>
      %sub3A_375 = arith.constant 1.000000e+00 : f32
      %sub3A_376 = vector.broadcast %sub3A_375 : f32 to vector<512x10xf32>
      %sub3A_377 = arith.subf %exp3A_374, %sub3A_376 : vector<512x10xf32>
      %select_n3A = arith.select %gt3A_371, %add3A_369, %sub3A_377 : vector<512x10xi1>, vector<512x10xf32>
      %convert_element_type3A_378 = arith.truncf %sub3A_359 : vector<512x30xf32> to vector<512x30xbf16>
      %convert_element_type3A_379 = arith.truncf %get3A_1 : vector<30x10xf32> to vector<30x10xbf16>
      %dot_general3A_380 = arith.constant dense<0.000000e+00> : vector<512x10xf32>
      %dot_general3A_381 = tpu.matmul %convert_element_type3A_378, %convert_element_type3A_379, %dot_general3A_380 {dimension_numbers = #tpu.dot_dimension_numbers<[1], [0], [0], [1], [0, 0, 1, 1], [], []>, transpose_lhs_hint = false} : vector<512x30xbf16>, vector<30x10xbf16>, vector<512x10xf32> -> vector<512x10xf32>
      %add3A_382 = vector.broadcast %get3A_4 : vector<1x10xf32> to vector<512x10xf32>
      %add3A_383 = arith.addf %dot_general3A_381, %add3A_382 : vector<512x10xf32>
      %gt3A_384 = arith.constant 0.000000e+00 : f32
      %gt3A_385 = vector.broadcast %gt3A_384 : f32 to vector<512x10xf32>
      %gt3A_386 = arith.cmpf ogt, %add3A_383, %gt3A_385 : vector<512x10xf32>
      %min3A_387 = arith.constant 0.000000e+00 : f32
      %min3A_388 = vector.broadcast %min3A_387 : f32 to vector<512x10xf32>
      %min3A_389 = arith.minimumf %add3A_383, %min3A_388 : vector<512x10xf32>
      %exp3A_390 = math.exp %min3A_389 : vector<512x10xf32>
      %sub3A_391 = arith.constant 1.000000e+00 : f32
      %sub3A_392 = vector.broadcast %sub3A_391 : f32 to vector<512x10xf32>
      %sub3A_393 = arith.subf %exp3A_390, %sub3A_392 : vector<512x10xf32>
      %select_n3A_394 = arith.select %gt3A_386, %add3A_383, %sub3A_393 : vector<512x10xi1>, vector<512x10xf32>
      %convert_element_type3A_395 = arith.truncf %sub3A_361 : vector<512x30xf32> to vector<512x30xbf16>
      %convert_element_type3A_396 = arith.truncf %get3A_1 : vector<30x10xf32> to vector<30x10xbf16>
      %dot_general3A_397 = arith.constant dense<0.000000e+00> : vector<512x10xf32>
      %dot_general3A_398 = tpu.matmul %convert_element_type3A_395, %convert_element_type3A_396, %dot_general3A_397 {dimension_numbers = #tpu.dot_dimension_numbers<[1], [0], [0], [1], [0, 0, 1, 1], [], []>, transpose_lhs_hint = false} : vector<512x30xbf16>, vector<30x10xbf16>, vector<512x10xf32> -> vector<512x10xf32>
      %add3A_399 = vector.broadcast %get3A_4 : vector<1x10xf32> to vector<512x10xf32>
      %add3A_400 = arith.addf %dot_general3A_398, %add3A_399 : vector<512x10xf32>
      %gt3A_401 = arith.constant 0.000000e+00 : f32
      %gt3A_402 = vector.broadcast %gt3A_401 : f32 to vector<512x10xf32>
      %gt3A_403 = arith.cmpf ogt, %add3A_400, %gt3A_402 : vector<512x10xf32>
      %min3A_404 = arith.constant 0.000000e+00 : f32
      %min3A_405 = vector.broadcast %min3A_404 : f32 to vector<512x10xf32>
      %min3A_406 = arith.minimumf %add3A_400, %min3A_405 : vector<512x10xf32>
      %exp3A_407 = math.exp %min3A_406 : vector<512x10xf32>
      %sub3A_408 = arith.constant 1.000000e+00 : f32
      %sub3A_409 = vector.broadcast %sub3A_408 : f32 to vector<512x10xf32>
      %sub3A_410 = arith.subf %exp3A_407, %sub3A_409 : vector<512x10xf32>
      %select_n3A_411 = arith.select %gt3A_403, %add3A_400, %sub3A_410 : vector<512x10xi1>, vector<512x10xf32>
      %convert_element_type3A_412 = arith.truncf %sub3A_363 : vector<512x30xf32> to vector<512x30xbf16>
      %convert_element_type3A_413 = arith.truncf %get3A_1 : vector<30x10xf32> to vector<30x10xbf16>
      %dot_general3A_414 = arith.constant dense<0.000000e+00> : vector<512x10xf32>
      %dot_general3A_415 = tpu.matmul %convert_element_type3A_412, %convert_element_type3A_413, %dot_general3A_414 {dimension_numbers = #tpu.dot_dimension_numbers<[1], [0], [0], [1], [0, 0, 1, 1], [], []>, transpose_lhs_hint = false} : vector<512x30xbf16>, vector<30x10xbf16>, vector<512x10xf32> -> vector<512x10xf32>
      %add3A_416 = vector.broadcast %get3A_4 : vector<1x10xf32> to vector<512x10xf32>
      %add3A_417 = arith.addf %dot_general3A_415, %add3A_416 : vector<512x10xf32>
      %gt3A_418 = arith.constant 0.000000e+00 : f32
      %gt3A_419 = vector.broadcast %gt3A_418 : f32 to vector<512x10xf32>
      %gt3A_420 = arith.cmpf ogt, %add3A_417, %gt3A_419 : vector<512x10xf32>
      %min3A_421 = arith.constant 0.000000e+00 : f32
      %min3A_422 = vector.broadcast %min3A_421 : f32 to vector<512x10xf32>
      %min3A_423 = arith.minimumf %add3A_417, %min3A_422 : vector<512x10xf32>
      %exp3A_424 = math.exp %min3A_423 : vector<512x10xf32>
      %sub3A_425 = arith.constant 1.000000e+00 : f32
      %sub3A_426 = vector.broadcast %sub3A_425 : f32 to vector<512x10xf32>
      %sub3A_427 = arith.subf %exp3A_424, %sub3A_426 : vector<512x10xf32>
      %select_n3A_428 = arith.select %gt3A_420, %add3A_417, %sub3A_427 : vector<512x10xi1>, vector<512x10xf32>
      %concatenate3A_429 = tpu.concatenate %select_n3A, %select_n3A_394, %select_n3A_411, %select_n3A_428 in 1 : vector<512x10xf32>, vector<512x10xf32>, vector<512x10xf32>, vector<512x10xf32> -> vector<512x40xf32>
      %concatenate3A_430 = tpu.concatenate %sub3A_357, %sub3A_359, %sub3A_361, %sub3A_363 in 1 : vector<512x30xf32>, vector<512x30xf32>, vector<512x30xf32>, vector<512x30xf32> -> vector<512x120xf32>
      %convert_element_type3A_431 = arith.truncf %concatenate3A_430 : vector<512x120xf32> to vector<512x120xbf16>
      %convert_element_type3A_432 = arith.truncf %get3A_13 : vector<120x16xf32> to vector<120x16xbf16>
      %dot_general3A_433 = arith.constant dense<0.000000e+00> : vector<512x16xf32>
      %dot_general3A_434 = tpu.matmul %convert_element_type3A_431, %convert_element_type3A_432, %dot_general3A_433 {dimension_numbers = #tpu.dot_dimension_numbers<[1], [0], [0], [1], [0, 0, 1, 1], [], []>, transpose_lhs_hint = false} : vector<512x120xbf16>, vector<120x16xbf16>, vector<512x16xf32> -> vector<512x16xf32>
      %add3A_435 = vector.broadcast %get3A_16 : vector<1x16xf32> to vector<512x16xf32>
      %add3A_436 = arith.addf %dot_general3A_434, %add3A_435 : vector<512x16xf32>
      %gt3A_437 = arith.constant 0.000000e+00 : f32
      %gt3A_438 = vector.broadcast %gt3A_437 : f32 to vector<512x16xf32>
      %gt3A_439 = arith.cmpf ogt, %add3A_436, %gt3A_438 : vector<512x16xf32>
      %min3A_440 = arith.constant 0.000000e+00 : f32
      %min3A_441 = vector.broadcast %min3A_440 : f32 to vector<512x16xf32>
      %min3A_442 = arith.minimumf %add3A_436, %min3A_441 : vector<512x16xf32>
      %exp3A_443 = math.exp %min3A_442 : vector<512x16xf32>
      %sub3A_444 = arith.constant 1.000000e+00 : f32
      %sub3A_445 = vector.broadcast %sub3A_444 : f32 to vector<512x16xf32>
      %sub3A_446 = arith.subf %exp3A_443, %sub3A_445 : vector<512x16xf32>
      %select_n3A_447 = arith.select %gt3A_439, %add3A_436, %sub3A_446 : vector<512x16xi1>, vector<512x16xf32>
      %swap3A_448 = arith.index_cast %mul3A_324 : i32 to index
      %swap3A_449 = arith.constant 0 : index
      %swap3A_450 = vector.load %arg36[%swap3A_448, %swap3A_449] : memref<8192x40xf32, #tpu.memory_space<vmem>>, vector<512x40xf32>
      tpu.vector_store %arg36[%swap3A_448, %swap3A_449], %concatenate3A_429 {strides = array<i32>} : memref<8192x40xf32, #tpu.memory_space<vmem>>, vector<512x40xf32>,
      %swap3A_451 = arith.index_cast %mul3A_324 : i32 to index
      %swap3A_452 = arith.constant 0 : index
      %swap3A_453 = vector.load %arg37[%swap3A_451, %swap3A_452] : memref<8192x16xf32, #tpu.memory_space<vmem>>, vector<512x16xf32>
      tpu.vector_store %arg37[%swap3A_451, %swap3A_452], %select_n3A_447 {strides = array<i32>} : memref<8192x16xf32, #tpu.memory_space<vmem>>, vector<512x16xf32>,
      %reduce_sum3A_454 = arith.constant dense<0.000000e+00> : vector<40xf32>
      %reduce_sum3A_455 = vector.multi_reduction <add>, %concatenate3A_429, %reduce_sum3A_454 [0] : vector<512x40xf32> to vector<40xf32>
      %broadcast_in_dim3A_456 = vector.shape_cast %reduce_sum3A_455 : vector<40xf32> to vector<1x40xf32>
      %mul3A_457 = arith.mulf %concatenate3A_429, %concatenate3A_429 : vector<512x40xf32>
      %reduce_sum3A_458 = arith.constant dense<0.000000e+00> : vector<40xf32>
      %reduce_sum3A_459 = vector.multi_reduction <add>, %mul3A_457, %reduce_sum3A_458 [0] : vector<512x40xf32> to vector<40xf32>
      %broadcast_in_dim3A_460 = vector.shape_cast %reduce_sum3A_459 : vector<40xf32> to vector<1x40xf32>
      %reduce_sum3A_461 = arith.constant dense<0.000000e+00> : vector<16xf32>
      %reduce_sum3A_462 = vector.multi_reduction <add>, %select_n3A_447, %reduce_sum3A_461 [0] : vector<512x16xf32> to vector<16xf32>
      %broadcast_in_dim3A_463 = vector.shape_cast %reduce_sum3A_462 : vector<16xf32> to vector<1x16xf32>
      %mul3A_464 = arith.mulf %select_n3A_447, %select_n3A_447 : vector<512x16xf32>
      %reduce_sum3A_465 = arith.constant dense<0.000000e+00> : vector<16xf32>
      %reduce_sum3A_466 = vector.multi_reduction <add>, %mul3A_464, %reduce_sum3A_465 [0] : vector<512x16xf32> to vector<16xf32>
      %broadcast_in_dim3A_467 = vector.shape_cast %reduce_sum3A_466 : vector<16xf32> to vector<1x16xf32>
      %add3A_468 = arith.addf %scan3A_319, %broadcast_in_dim3A_456 : vector<1x40xf32>
      %add3A_469 = arith.addf %scan3A_320, %broadcast_in_dim3A_460 : vector<1x40xf32>
      %add3A_470 = arith.addf %scan3A_321, %broadcast_in_dim3A_463 : vector<1x16xf32>
      %add3A_471 = arith.addf %scan3A_322, %broadcast_in_dim3A_467 : vector<1x16xf32>
      scf.yield %add3A_468, %add3A_469, %add3A_470, %add3A_471 : vector<1x40xf32>, vector<1x40xf32>, vector<1x16xf32>, vector<1x16xf32>
    }
    %scan3A_48 = arith.constant 16 : i32
    %slice3A = vector.extract_strided_slice %scan3A_47#0 {offsets = [0, 0], sizes = [1, 10], strides = [1, 1]} : vector<1x40xf32> to vector<1x10xf32>
    %add3A = arith.constant 0.000000e+00 : f32
    %add3A_49 = vector.broadcast %add3A : f32 to vector<1x10xf32>
    %add3A_50 = arith.addf %add3A_49, %slice3A : vector<1x10xf32>
    %slice3A_51 = vector.extract_strided_slice %scan3A_47#0 {offsets = [0, 10], sizes = [1, 10], strides = [1, 1]} : vector<1x40xf32> to vector<1x10xf32>
    %add3A_52 = arith.addf %add3A_50, %slice3A_51 : vector<1x10xf32>
    %slice3A_53 = vector.extract_strided_slice %scan3A_47#0 {offsets = [0, 20], sizes = [1, 10], strides = [1, 1]} : vector<1x40xf32> to vector<1x10xf32>
    %add3A_54 = arith.addf %add3A_52, %slice3A_53 : vector<1x10xf32>
    %slice3A_55 = vector.extract_strided_slice %scan3A_47#0 {offsets = [0, 30], sizes = [1, 10], strides = [1, 1]} : vector<1x40xf32> to vector<1x10xf32>
    %add3A_56 = arith.addf %add3A_54, %slice3A_55 : vector<1x10xf32>
    %slice3A_57 = vector.extract_strided_slice %scan3A_47#1 {offsets = [0, 0], sizes = [1, 10], strides = [1, 1]} : vector<1x40xf32> to vector<1x10xf32>
    %add3A_58 = arith.constant 0.000000e+00 : f32
    %add3A_59 = vector.broadcast %add3A_58 : f32 to vector<1x10xf32>
    %add3A_60 = arith.addf %add3A_59, %slice3A_57 : vector<1x10xf32>
    %slice3A_61 = vector.extract_strided_slice %scan3A_47#1 {offsets = [0, 10], sizes = [1, 10], strides = [1, 1]} : vector<1x40xf32> to vector<1x10xf32>
    %add3A_62 = arith.addf %add3A_60, %slice3A_61 : vector<1x10xf32>
    %slice3A_63 = vector.extract_strided_slice %scan3A_47#1 {offsets = [0, 20], sizes = [1, 10], strides = [1, 1]} : vector<1x40xf32> to vector<1x10xf32>
    %add3A_64 = arith.addf %add3A_62, %slice3A_63 : vector<1x10xf32>
    %slice3A_65 = vector.extract_strided_slice %scan3A_47#1 {offsets = [0, 30], sizes = [1, 10], strides = [1, 1]} : vector<1x40xf32> to vector<1x10xf32>
    %add3A_66 = arith.addf %add3A_64, %slice3A_65 : vector<1x10xf32>
    %div3A = arith.constant 3.276800e+04 : f32
    %div3A_67 = vector.broadcast %div3A : f32 to vector<1x10xf32>
    %div3A_68 = arith.divf %add3A_56, %div3A_67 : vector<1x10xf32>
    %div3A_69 = arith.constant 3.276800e+04 : f32
    %div3A_70 = vector.broadcast %div3A_69 : f32 to vector<1x10xf32>
    %div3A_71 = arith.divf %add3A_66, %div3A_70 : vector<1x10xf32>
    %mul3A = arith.mulf %div3A_68, %div3A_68 : vector<1x10xf32>
    %sub3A = arith.subf %div3A_71, %mul3A : vector<1x10xf32>
    %get3A_72 = arith.constant 0 : index
    %get3A_73 = arith.constant 0 : index
    %get3A_74 = vector.load %arg5[%get3A_72, %get3A_73] : memref<1x10xf32, #tpu.memory_space<vmem>>, vector<1x10xf32>
    %add3A_75 = arith.constant 9.99999974E-6 : f32
    %add3A_76 = vector.broadcast %add3A_75 : f32 to vector<1x10xf32>
    %add3A_77 = arith.addf %sub3A, %add3A_76 : vector<1x10xf32>
    %sqrt3A = math.sqrt %add3A_77 : vector<1x10xf32>
    %div3A_78 = arith.divf %get3A_74, %sqrt3A : vector<1x10xf32>
    %get3A_79 = arith.constant 0 : index
    %get3A_80 = arith.constant 0 : index
    %get3A_81 = vector.load %arg6[%get3A_79, %get3A_80] : memref<1x10xf32, #tpu.memory_space<vmem>>, vector<1x10xf32>
    %mul3A_82 = arith.mulf %div3A_68, %div3A_78 : vector<1x10xf32>
    %sub3A_83 = arith.subf %get3A_81, %mul3A_82 : vector<1x10xf32>
    %concatenate3A = tpu.concatenate %div3A_78, %div3A_78, %div3A_78, %div3A_78 in 1 : vector<1x10xf32>, vector<1x10xf32>, vector<1x10xf32>, vector<1x10xf32> -> vector<1x40xf32>
    %concatenate3A_84 = tpu.concatenate %sub3A_83, %sub3A_83, %sub3A_83, %sub3A_83 in 1 : vector<1x10xf32>, vector<1x10xf32>, vector<1x10xf32>, vector<1x10xf32> -> vector<1x40xf32>
    %div3A_85 = arith.constant 8.192000e+03 : f32
    %div3A_86 = vector.broadcast %div3A_85 : f32 to vector<1x16xf32>
    %div3A_87 = arith.divf %scan3A_47#2, %div3A_86 : vector<1x16xf32>
    %div3A_88 = arith.constant 8.192000e+03 : f32
    %div3A_89 = vector.broadcast %div3A_88 : f32 to vector<1x16xf32>
    %div3A_90 = arith.divf %scan3A_47#3, %div3A_89 : vector<1x16xf32>
    %mul3A_91 = arith.mulf %div3A_87, %div3A_87 : vector<1x16xf32>
    %sub3A_92 = arith.subf %div3A_90, %mul3A_91 : vector<1x16xf32>
    %get3A_93 = arith.constant 0 : index
    %get3A_94 = arith.constant 0 : index
    %get3A_95 = vector.load %arg13[%get3A_93, %get3A_94] : memref<1x16xf32, #tpu.memory_space<vmem>>, vector<1x16xf32>
    %add3A_96 = arith.constant 9.99999974E-6 : f32
    %add3A_97 = vector.broadcast %add3A_96 : f32 to vector<1x16xf32>
    %add3A_98 = arith.addf %sub3A_92, %add3A_97 : vector<1x16xf32>
    %sqrt3A_99 = math.sqrt %add3A_98 : vector<1x16xf32>
    %div3A_100 = arith.divf %get3A_95, %sqrt3A_99 : vector<1x16xf32>
    %get3A_101 = arith.constant 0 : index
    %get3A_102 = arith.constant 0 : index
    %get3A_103 = vector.load %arg14[%get3A_101, %get3A_102] : memref<1x16xf32, #tpu.memory_space<vmem>>, vector<1x16xf32>
    %mul3A_104 = arith.mulf %div3A_87, %div3A_100 : vector<1x16xf32>
    %sub3A_105 = arith.subf %get3A_103, %mul3A_104 : vector<1x16xf32>
    %scan3A_106 = arith.constant 0 : i32
    %scan3A_107 = arith.constant 16 : i32
    %scan3A_108 = arith.addi %scan3A_106, %scan3A_107 : i32
    %scan3A_109 = arith.constant 1 : i32
    %scan3A_110:4 = scf.for %scan3A_318 = %scan3A_106 to %scan3A_108 step %scan3A_109 iter_args(%scan3A_319 = %broadcast_in_dim3A_41, %scan3A_320 = %broadcast_in_dim3A_41, %scan3A_321 = %broadcast_in_dim3A_43, %scan3A_322 = %broadcast_in_dim3A_43) -> (vector<1x40xf32>, vector<1x40xf32>, vector<1x16xf32>, vector<1x16xf32>)  : i32 {
      %mul3A_323 = arith.constant 512 : i32
      %mul3A_324 = arith.muli %scan3A_318, %mul3A_323 : i32
      %get3A_325 = arith.index_cast %mul3A_324 : i32 to index
      %get3A_326 = arith.constant 0 : index
      %get3A_327 = vector.load %arg36[%get3A_325, %get3A_326] : memref<8192x40xf32, #tpu.memory_space<vmem>>, vector<512x40xf32>
      %mul3A_328 = vector.broadcast %concatenate3A : vector<1x40xf32> to vector<512x40xf32>
      %mul3A_329 = arith.mulf %get3A_327, %mul3A_328 : vector<512x40xf32>
      %add3A_330 = vector.broadcast %concatenate3A_84 : vector<1x40xf32> to vector<512x40xf32>
      %add3A_331 = arith.addf %mul3A_329, %add3A_330 : vector<512x40xf32>
      %slice3A_332 = vector.extract_strided_slice %add3A_331 {offsets = [0, 0], sizes = [512, 10], strides = [1, 1]} : vector<512x40xf32> to vector<512x10xf32>
      %convert_element_type3A_333 = arith.truncf %slice3A_332 : vector<512x10xf32> to vector<512x10xbf16>
      %convert_element_type3A_334 = arith.truncf %get3A_7 : vector<10x10xf32> to vector<10x10xbf16>
      %dot_general3A_335 = arith.constant dense<0.000000e+00> : vector<512x10xf32>
      %dot_general3A_336 = tpu.matmul %convert_element_type3A_333, %convert_element_type3A_334, %dot_general3A_335 {dimension_numbers = #tpu.dot_dimension_numbers<[1], [0], [0], [1], [0, 0, 1, 1], [], []>, transpose_lhs_hint = false} : vector<512x10xbf16>, vector<10x10xbf16>, vector<512x10xf32> -> vector<512x10xf32>
      %add3A_337 = vector.broadcast %get3A_10 : vector<1x10xf32> to vector<512x10xf32>
      %add3A_338 = arith.addf %dot_general3A_336, %add3A_337 : vector<512x10xf32>
      %gt3A = arith.constant 0.000000e+00 : f32
      %gt3A_339 = vector.broadcast %gt3A : f32 to vector<512x10xf32>
      %gt3A_340 = arith.cmpf ogt, %add3A_338, %gt3A_339 : vector<512x10xf32>
      %min3A = arith.constant 0.000000e+00 : f32
      %min3A_341 = vector.broadcast %min3A : f32 to vector<512x10xf32>
      %min3A_342 = arith.minimumf %add3A_338, %min3A_341 : vector<512x10xf32>
      %exp3A_343 = math.exp %min3A_342 : vector<512x10xf32>
      %sub3A_344 = arith.constant 1.000000e+00 : f32
      %sub3A_345 = vector.broadcast %sub3A_344 : f32 to vector<512x10xf32>
      %sub3A_346 = arith.subf %exp3A_343, %sub3A_345 : vector<512x10xf32>
      %select_n3A = arith.select %gt3A_340, %add3A_338, %sub3A_346 : vector<512x10xi1>, vector<512x10xf32>
      %slice3A_347 = vector.extract_strided_slice %add3A_331 {offsets = [0, 10], sizes = [512, 10], strides = [1, 1]} : vector<512x40xf32> to vector<512x10xf32>
      %convert_element_type3A_348 = arith.truncf %slice3A_347 : vector<512x10xf32> to vector<512x10xbf16>
      %convert_element_type3A_349 = arith.truncf %get3A_7 : vector<10x10xf32> to vector<10x10xbf16>
      %dot_general3A_350 = arith.constant dense<0.000000e+00> : vector<512x10xf32>
      %dot_general3A_351 = tpu.matmul %convert_element_type3A_348, %convert_element_type3A_349, %dot_general3A_350 {dimension_numbers = #tpu.dot_dimension_numbers<[1], [0], [0], [1], [0, 0, 1, 1], [], []>, transpose_lhs_hint = false} : vector<512x10xbf16>, vector<10x10xbf16>, vector<512x10xf32> -> vector<512x10xf32>
      %add3A_352 = vector.broadcast %get3A_10 : vector<1x10xf32> to vector<512x10xf32>
      %add3A_353 = arith.addf %dot_general3A_351, %add3A_352 : vector<512x10xf32>
      %gt3A_354 = arith.constant 0.000000e+00 : f32
      %gt3A_355 = vector.broadcast %gt3A_354 : f32 to vector<512x10xf32>
      %gt3A_356 = arith.cmpf ogt, %add3A_353, %gt3A_355 : vector<512x10xf32>
      %min3A_357 = arith.constant 0.000000e+00 : f32
      %min3A_358 = vector.broadcast %min3A_357 : f32 to vector<512x10xf32>
      %min3A_359 = arith.minimumf %add3A_353, %min3A_358 : vector<512x10xf32>
      %exp3A_360 = math.exp %min3A_359 : vector<512x10xf32>
      %sub3A_361 = arith.constant 1.000000e+00 : f32
      %sub3A_362 = vector.broadcast %sub3A_361 : f32 to vector<512x10xf32>
      %sub3A_363 = arith.subf %exp3A_360, %sub3A_362 : vector<512x10xf32>
      %select_n3A_364 = arith.select %gt3A_356, %add3A_353, %sub3A_363 : vector<512x10xi1>, vector<512x10xf32>
      %slice3A_365 = vector.extract_strided_slice %add3A_331 {offsets = [0, 20], sizes = [512, 10], strides = [1, 1]} : vector<512x40xf32> to vector<512x10xf32>
      %convert_element_type3A_366 = arith.truncf %slice3A_365 : vector<512x10xf32> to vector<512x10xbf16>
      %convert_element_type3A_367 = arith.truncf %get3A_7 : vector<10x10xf32> to vector<10x10xbf16>
      %dot_general3A_368 = arith.constant dense<0.000000e+00> : vector<512x10xf32>
      %dot_general3A_369 = tpu.matmul %convert_element_type3A_366, %convert_element_type3A_367, %dot_general3A_368 {dimension_numbers = #tpu.dot_dimension_numbers<[1], [0], [0], [1], [0, 0, 1, 1], [], []>, transpose_lhs_hint = false} : vector<512x10xbf16>, vector<10x10xbf16>, vector<512x10xf32> -> vector<512x10xf32>
      %add3A_370 = vector.broadcast %get3A_10 : vector<1x10xf32> to vector<512x10xf32>
      %add3A_371 = arith.addf %dot_general3A_369, %add3A_370 : vector<512x10xf32>
      %gt3A_372 = arith.constant 0.000000e+00 : f32
      %gt3A_373 = vector.broadcast %gt3A_372 : f32 to vector<512x10xf32>
      %gt3A_374 = arith.cmpf ogt, %add3A_371, %gt3A_373 : vector<512x10xf32>
      %min3A_375 = arith.constant 0.000000e+00 : f32
      %min3A_376 = vector.broadcast %min3A_375 : f32 to vector<512x10xf32>
      %min3A_377 = arith.minimumf %add3A_371, %min3A_376 : vector<512x10xf32>
      %exp3A_378 = math.exp %min3A_377 : vector<512x10xf32>
      %sub3A_379 = arith.constant 1.000000e+00 : f32
      %sub3A_380 = vector.broadcast %sub3A_379 : f32 to vector<512x10xf32>
      %sub3A_381 = arith.subf %exp3A_378, %sub3A_380 : vector<512x10xf32>
      %select_n3A_382 = arith.select %gt3A_374, %add3A_371, %sub3A_381 : vector<512x10xi1>, vector<512x10xf32>
      %slice3A_383 = vector.extract_strided_slice %add3A_331 {offsets = [0, 30], sizes = [512, 10], strides = [1, 1]} : vector<512x40xf32> to vector<512x10xf32>
      %convert_element_type3A_384 = arith.truncf %slice3A_383 : vector<512x10xf32> to vector<512x10xbf16>
      %convert_element_type3A_385 = arith.truncf %get3A_7 : vector<10x10xf32> to vector<10x10xbf16>
      %dot_general3A_386 = arith.constant dense<0.000000e+00> : vector<512x10xf32>
      %dot_general3A_387 = tpu.matmul %convert_element_type3A_384, %convert_element_type3A_385, %dot_general3A_386 {dimension_numbers = #tpu.dot_dimension_numbers<[1], [0], [0], [1], [0, 0, 1, 1], [], []>, transpose_lhs_hint = false} : vector<512x10xbf16>, vector<10x10xbf16>, vector<512x10xf32> -> vector<512x10xf32>
      %add3A_388 = vector.broadcast %get3A_10 : vector<1x10xf32> to vector<512x10xf32>
      %add3A_389 = arith.addf %dot_general3A_387, %add3A_388 : vector<512x10xf32>
      %gt3A_390 = arith.constant 0.000000e+00 : f32
      %gt3A_391 = vector.broadcast %gt3A_390 : f32 to vector<512x10xf32>
      %gt3A_392 = arith.cmpf ogt, %add3A_389, %gt3A_391 : vector<512x10xf32>
      %min3A_393 = arith.constant 0.000000e+00 : f32
      %min3A_394 = vector.broadcast %min3A_393 : f32 to vector<512x10xf32>
      %min3A_395 = arith.minimumf %add3A_389, %min3A_394 : vector<512x10xf32>
      %exp3A_396 = math.exp %min3A_395 : vector<512x10xf32>
      %sub3A_397 = arith.constant 1.000000e+00 : f32
      %sub3A_398 = vector.broadcast %sub3A_397 : f32 to vector<512x10xf32>
      %sub3A_399 = arith.subf %exp3A_396, %sub3A_398 : vector<512x10xf32>
      %select_n3A_400 = arith.select %gt3A_392, %add3A_389, %sub3A_399 : vector<512x10xi1>, vector<512x10xf32>
      %concatenate3A_401 = tpu.concatenate %select_n3A, %select_n3A_364, %select_n3A_382, %select_n3A_400 in 1 : vector<512x10xf32>, vector<512x10xf32>, vector<512x10xf32>, vector<512x10xf32> -> vector<512x40xf32>
      %get3A_402 = arith.index_cast %mul3A_324 : i32 to index
      %get3A_403 = arith.constant 0 : index
      %get3A_404 = vector.load %arg37[%get3A_402, %get3A_403] : memref<8192x16xf32, #tpu.memory_space<vmem>>, vector<512x16xf32>
      %mul3A_405 = vector.broadcast %div3A_100 : vector<1x16xf32> to vector<512x16xf32>
      %mul3A_406 = arith.mulf %get3A_404, %mul3A_405 : vector<512x16xf32>
      %add3A_407 = vector.broadcast %sub3A_105 : vector<1x16xf32> to vector<512x16xf32>
      %add3A_408 = arith.addf %mul3A_406, %add3A_407 : vector<512x16xf32>
      %convert_element_type3A_409 = arith.truncf %add3A_408 : vector<512x16xf32> to vector<512x16xbf16>
      %convert_element_type3A_410 = arith.truncf %get3A_19 : vector<16x16xf32> to vector<16x16xbf16>
      %dot_general3A_411 = arith.constant dense<0.000000e+00> : vector<512x16xf32>
      %dot_general3A_412 = tpu.matmul %convert_element_type3A_409, %convert_element_type3A_410, %dot_general3A_411 {dimension_numbers = #tpu.dot_dimension_numbers<[1], [0], [0], [1], [0, 0, 1, 1], [], []>, transpose_lhs_hint = false} : vector<512x16xbf16>, vector<16x16xbf16>, vector<512x16xf32> -> vector<512x16xf32>
      %add3A_413 = vector.broadcast %get3A_22 : vector<1x16xf32> to vector<512x16xf32>
      %add3A_414 = arith.addf %dot_general3A_412, %add3A_413 : vector<512x16xf32>
      %gt3A_415 = arith.constant 0.000000e+00 : f32
      %gt3A_416 = vector.broadcast %gt3A_415 : f32 to vector<512x16xf32>
      %gt3A_417 = arith.cmpf ogt, %add3A_414, %gt3A_416 : vector<512x16xf32>
      %min3A_418 = arith.constant 0.000000e+00 : f32
      %min3A_419 = vector.broadcast %min3A_418 : f32 to vector<512x16xf32>
      %min3A_420 = arith.minimumf %add3A_414, %min3A_419 : vector<512x16xf32>
      %exp3A_421 = math.exp %min3A_420 : vector<512x16xf32>
      %sub3A_422 = arith.constant 1.000000e+00 : f32
      %sub3A_423 = vector.broadcast %sub3A_422 : f32 to vector<512x16xf32>
      %sub3A_424 = arith.subf %exp3A_421, %sub3A_423 : vector<512x16xf32>
      %select_n3A_425 = arith.select %gt3A_417, %add3A_414, %sub3A_424 : vector<512x16xi1>, vector<512x16xf32>
      %swap3A_426 = arith.index_cast %mul3A_324 : i32 to index
      %swap3A_427 = arith.constant 0 : index
      %swap3A_428 = vector.load %arg36[%swap3A_426, %swap3A_427] : memref<8192x40xf32, #tpu.memory_space<vmem>>, vector<512x40xf32>
      tpu.vector_store %arg36[%swap3A_426, %swap3A_427], %concatenate3A_401 {strides = array<i32>} : memref<8192x40xf32, #tpu.memory_space<vmem>>, vector<512x40xf32>,
      %swap3A_429 = arith.index_cast %mul3A_324 : i32 to index
      %swap3A_430 = arith.constant 0 : index
      %swap3A_431 = vector.load %arg37[%swap3A_429, %swap3A_430] : memref<8192x16xf32, #tpu.memory_space<vmem>>, vector<512x16xf32>
      tpu.vector_store %arg37[%swap3A_429, %swap3A_430], %select_n3A_425 {strides = array<i32>} : memref<8192x16xf32, #tpu.memory_space<vmem>>, vector<512x16xf32>,
      %reduce_sum3A_432 = arith.constant dense<0.000000e+00> : vector<40xf32>
      %reduce_sum3A_433 = vector.multi_reduction <add>, %concatenate3A_401, %reduce_sum3A_432 [0] : vector<512x40xf32> to vector<40xf32>
      %broadcast_in_dim3A_434 = vector.shape_cast %reduce_sum3A_433 : vector<40xf32> to vector<1x40xf32>
      %mul3A_435 = arith.mulf %concatenate3A_401, %concatenate3A_401 : vector<512x40xf32>
      %reduce_sum3A_436 = arith.constant dense<0.000000e+00> : vector<40xf32>
      %reduce_sum3A_437 = vector.multi_reduction <add>, %mul3A_435, %reduce_sum3A_436 [0] : vector<512x40xf32> to vector<40xf32>
      %broadcast_in_dim3A_438 = vector.shape_cast %reduce_sum3A_437 : vector<40xf32> to vector<1x40xf32>
      %reduce_sum3A_439 = arith.constant dense<0.000000e+00> : vector<16xf32>
      %reduce_sum3A_440 = vector.multi_reduction <add>, %select_n3A_425, %reduce_sum3A_439 [0] : vector<512x16xf32> to vector<16xf32>
      %broadcast_in_dim3A_441 = vector.shape_cast %reduce_sum3A_440 : vector<16xf32> to vector<1x16xf32>
      %mul3A_442 = arith.mulf %select_n3A_425, %select_n3A_425 : vector<512x16xf32>
      %reduce_sum3A_443 = arith.constant dense<0.000000e+00> : vector<16xf32>
      %reduce_sum3A_444 = vector.multi_reduction <add>, %mul3A_442, %reduce_sum3A_443 [0] : vector<512x16xf32> to vector<16xf32>
      %broadcast_in_dim3A_445 = vector.shape_cast %reduce_sum3A_444 : vector<16xf32> to vector<1x16xf32>
      %add3A_446 = arith.addf %scan3A_319, %broadcast_in_dim3A_434 : vector<1x40xf32>
      %add3A_447 = arith.addf %scan3A_320, %broadcast_in_dim3A_438 : vector<1x40xf32>
      %add3A_448 = arith.addf %scan3A_321, %broadcast_in_dim3A_441 : vector<1x16xf32>
      %add3A_449 = arith.addf %scan3A_322, %broadcast_in_dim3A_445 : vector<1x16xf32>
      scf.yield %add3A_446, %add3A_447, %add3A_448, %add3A_449 : vector<1x40xf32>, vector<1x40xf32>, vector<1x16xf32>, vector<1x16xf32>
    }
    %scan3A_111 = arith.constant 16 : i32
    %slice3A_112 = vector.extract_strided_slice %scan3A_110#0 {offsets = [0, 0], sizes = [1, 10], strides = [1, 1]} : vector<1x40xf32> to vector<1x10xf32>
    %add3A_113 = arith.constant 0.000000e+00 : f32
    %add3A_114 = vector.broadcast %add3A_113 : f32 to vector<1x10xf32>
    %add3A_115 = arith.addf %add3A_114, %slice3A_112 : vector<1x10xf32>
    %slice3A_116 = vector.extract_strided_slice %scan3A_110#0 {offsets = [0, 10], sizes = [1, 10], strides = [1, 1]} : vector<1x40xf32> to vector<1x10xf32>
    %add3A_117 = arith.addf %add3A_115, %slice3A_116 : vector<1x10xf32>
    %slice3A_118 = vector.extract_strided_slice %scan3A_110#0 {offsets = [0, 20], sizes = [1, 10], strides = [1, 1]} : vector<1x40xf32> to vector<1x10xf32>
    %add3A_119 = arith.addf %add3A_117, %slice3A_118 : vector<1x10xf32>
    %slice3A_120 = vector.extract_strided_slice %scan3A_110#0 {offsets = [0, 30], sizes = [1, 10], strides = [1, 1]} : vector<1x40xf32> to vector<1x10xf32>
    %add3A_121 = arith.addf %add3A_119, %slice3A_120 : vector<1x10xf32>
    %slice3A_122 = vector.extract_strided_slice %scan3A_110#1 {offsets = [0, 0], sizes = [1, 10], strides = [1, 1]} : vector<1x40xf32> to vector<1x10xf32>
    %add3A_123 = arith.constant 0.000000e+00 : f32
    %add3A_124 = vector.broadcast %add3A_123 : f32 to vector<1x10xf32>
    %add3A_125 = arith.addf %add3A_124, %slice3A_122 : vector<1x10xf32>
    %slice3A_126 = vector.extract_strided_slice %scan3A_110#1 {offsets = [0, 10], sizes = [1, 10], strides = [1, 1]} : vector<1x40xf32> to vector<1x10xf32>
    %add3A_127 = arith.addf %add3A_125, %slice3A_126 : vector<1x10xf32>
    %slice3A_128 = vector.extract_strided_slice %scan3A_110#1 {offsets = [0, 20], sizes = [1, 10], strides = [1, 1]} : vector<1x40xf32> to vector<1x10xf32>
    %add3A_129 = arith.addf %add3A_127, %slice3A_128 : vector<1x10xf32>
    %slice3A_130 = vector.extract_strided_slice %scan3A_110#1 {offsets = [0, 30], sizes = [1, 10], strides = [1, 1]} : vector<1x40xf32> to vector<1x10xf32>
    %add3A_131 = arith.addf %add3A_129, %slice3A_130 : vector<1x10xf32>
    %div3A_132 = arith.constant 3.276800e+04 : f32
    %div3A_133 = vector.broadcast %div3A_132 : f32 to vector<1x10xf32>
    %div3A_134 = arith.divf %add3A_121, %div3A_133 : vector<1x10xf32>
    %div3A_135 = arith.constant 3.276800e+04 : f32
    %div3A_136 = vector.broadcast %div3A_135 : f32 to vector<1x10xf32>
    %div3A_137 = arith.divf %add3A_131, %div3A_136 : vector<1x10xf32>
    %mul3A_138 = arith.mulf %div3A_134, %div3A_134 : vector<1x10xf32>
    %sub3A_139 = arith.subf %div3A_137, %mul3A_138 : vector<1x10xf32>
    %get3A_140 = arith.constant 0 : index
    %get3A_141 = arith.constant 0 : index
    %get3A_142 = vector.load %arg9[%get3A_140, %get3A_141] : memref<1x10xf32, #tpu.memory_space<vmem>>, vector<1x10xf32>
    %add3A_143 = arith.constant 9.99999974E-6 : f32
    %add3A_144 = vector.broadcast %add3A_143 : f32 to vector<1x10xf32>
    %add3A_145 = arith.addf %sub3A_139, %add3A_144 : vector<1x10xf32>
    %sqrt3A_146 = math.sqrt %add3A_145 : vector<1x10xf32>
    %div3A_147 = arith.divf %get3A_142, %sqrt3A_146 : vector<1x10xf32>
    %get3A_148 = arith.constant 0 : index
    %get3A_149 = arith.constant 0 : index
    %get3A_150 = vector.load %arg10[%get3A_148, %get3A_149] : memref<1x10xf32, #tpu.memory_space<vmem>>, vector<1x10xf32>
    %mul3A_151 = arith.mulf %div3A_134, %div3A_147 : vector<1x10xf32>
    %sub3A_152 = arith.subf %get3A_150, %mul3A_151 : vector<1x10xf32>
    %concatenate3A_153 = tpu.concatenate %div3A_147, %div3A_147, %div3A_147, %div3A_147 in 1 : vector<1x10xf32>, vector<1x10xf32>, vector<1x10xf32>, vector<1x10xf32> -> vector<1x40xf32>
    %concatenate3A_154 = tpu.concatenate %sub3A_152, %sub3A_152, %sub3A_152, %sub3A_152 in 1 : vector<1x10xf32>, vector<1x10xf32>, vector<1x10xf32>, vector<1x10xf32> -> vector<1x40xf32>
    %div3A_155 = arith.constant 8.192000e+03 : f32
    %div3A_156 = vector.broadcast %div3A_155 : f32 to vector<1x16xf32>
    %div3A_157 = arith.divf %scan3A_110#2, %div3A_156 : vector<1x16xf32>
    %div3A_158 = arith.constant 8.192000e+03 : f32
    %div3A_159 = vector.broadcast %div3A_158 : f32 to vector<1x16xf32>
    %div3A_160 = arith.divf %scan3A_110#3, %div3A_159 : vector<1x16xf32>
    %mul3A_161 = arith.mulf %div3A_157, %div3A_157 : vector<1x16xf32>
    %sub3A_162 = arith.subf %div3A_160, %mul3A_161 : vector<1x16xf32>
    %get3A_163 = arith.constant 0 : index
    %get3A_164 = arith.constant 0 : index
    %get3A_165 = vector.load %arg17[%get3A_163, %get3A_164] : memref<1x16xf32, #tpu.memory_space<vmem>>, vector<1x16xf32>
    %add3A_166 = arith.constant 9.99999974E-6 : f32
    %add3A_167 = vector.broadcast %add3A_166 : f32 to vector<1x16xf32>
    %add3A_168 = arith.addf %sub3A_162, %add3A_167 : vector<1x16xf32>
    %sqrt3A_169 = math.sqrt %add3A_168 : vector<1x16xf32>
    %div3A_170 = arith.divf %get3A_165, %sqrt3A_169 : vector<1x16xf32>
    %get3A_171 = arith.constant 0 : index
    %get3A_172 = arith.constant 0 : index
    %get3A_173 = vector.load %arg18[%get3A_171, %get3A_172] : memref<1x16xf32, #tpu.memory_space<vmem>>, vector<1x16xf32>
    %mul3A_174 = arith.mulf %div3A_157, %div3A_170 : vector<1x16xf32>
    %sub3A_175 = arith.subf %get3A_173, %mul3A_174 : vector<1x16xf32>
    %scan3A_176 = arith.constant 0 : i32
    %scan3A_177 = arith.constant 16 : i32
    %scan3A_178 = arith.addi %scan3A_176, %scan3A_177 : i32
    %scan3A_179 = arith.constant 1 : i32
    %scan3A_180:2 = scf.for %scan3A_318 = %scan3A_176 to %scan3A_178 step %scan3A_179 iter_args(%scan3A_319 = %broadcast_in_dim3A_43, %scan3A_320 = %broadcast_in_dim3A_43) -> (vector<1x16xf32>, vector<1x16xf32>)  : i32 {
      %mul3A_321 = arith.constant 512 : i32
      %mul3A_322 = arith.muli %scan3A_318, %mul3A_321 : i32
      %get3A_323 = arith.index_cast %mul3A_322 : i32 to index
      %get3A_324 = arith.constant 0 : index
      %get3A_325 = vector.load %arg37[%get3A_323, %get3A_324] : memref<8192x16xf32, #tpu.memory_space<vmem>>, vector<512x16xf32>
      %mul3A_326 = vector.broadcast %div3A_170 : vector<1x16xf32> to vector<512x16xf32>
      %mul3A_327 = arith.mulf %get3A_325, %mul3A_326 : vector<512x16xf32>
      %add3A_328 = vector.broadcast %sub3A_175 : vector<1x16xf32> to vector<512x16xf32>
      %add3A_329 = arith.addf %mul3A_327, %add3A_328 : vector<512x16xf32>
      %convert_element_type3A_330 = arith.truncf %add3A_329 : vector<512x16xf32> to vector<512x16xbf16>
      %convert_element_type3A_331 = arith.truncf %get3A_25 : vector<16x16xf32> to vector<16x16xbf16>
      %dot_general3A_332 = arith.constant dense<0.000000e+00> : vector<512x16xf32>
      %dot_general3A_333 = tpu.matmul %convert_element_type3A_330, %convert_element_type3A_331, %dot_general3A_332 {dimension_numbers = #tpu.dot_dimension_numbers<[1], [0], [0], [1], [0, 0, 1, 1], [], []>, transpose_lhs_hint = false} : vector<512x16xbf16>, vector<16x16xbf16>, vector<512x16xf32> -> vector<512x16xf32>
      %add3A_334 = vector.broadcast %get3A_28 : vector<1x16xf32> to vector<512x16xf32>
      %add3A_335 = arith.addf %dot_general3A_333, %add3A_334 : vector<512x16xf32>
      %swap3A_336 = arith.index_cast %mul3A_322 : i32 to index
      %swap3A_337 = arith.constant 0 : index
      %swap3A_338 = vector.load %arg37[%swap3A_336, %swap3A_337] : memref<8192x16xf32, #tpu.memory_space<vmem>>, vector<512x16xf32>
      tpu.vector_store %arg37[%swap3A_336, %swap3A_337], %add3A_335 {strides = array<i32>} : memref<8192x16xf32, #tpu.memory_space<vmem>>, vector<512x16xf32>,
      %reduce_sum3A_339 = arith.constant dense<0.000000e+00> : vector<16xf32>
      %reduce_sum3A_340 = vector.multi_reduction <add>, %add3A_335, %reduce_sum3A_339 [0] : vector<512x16xf32> to vector<16xf32>
      %broadcast_in_dim3A_341 = vector.shape_cast %reduce_sum3A_340 : vector<16xf32> to vector<1x16xf32>
      %mul3A_342 = arith.mulf %add3A_335, %add3A_335 : vector<512x16xf32>
      %reduce_sum3A_343 = arith.constant dense<0.000000e+00> : vector<16xf32>
      %reduce_sum3A_344 = vector.multi_reduction <add>, %mul3A_342, %reduce_sum3A_343 [0] : vector<512x16xf32> to vector<16xf32>
      %broadcast_in_dim3A_345 = vector.shape_cast %reduce_sum3A_344 : vector<16xf32> to vector<1x16xf32>
      %add3A_346 = arith.addf %scan3A_319, %broadcast_in_dim3A_341 : vector<1x16xf32>
      %add3A_347 = arith.addf %scan3A_320, %broadcast_in_dim3A_345 : vector<1x16xf32>
      scf.yield %add3A_346, %add3A_347 : vector<1x16xf32>, vector<1x16xf32>
    }
    %scan3A_181 = arith.constant 16 : i32
    %div3A_182 = arith.constant 8.192000e+03 : f32
    %div3A_183 = vector.broadcast %div3A_182 : f32 to vector<1x16xf32>
    %div3A_184 = arith.divf %scan3A_180#0, %div3A_183 : vector<1x16xf32>
    %div3A_185 = arith.constant 8.192000e+03 : f32
    %div3A_186 = vector.broadcast %div3A_185 : f32 to vector<1x16xf32>
    %div3A_187 = arith.divf %scan3A_180#1, %div3A_186 : vector<1x16xf32>
    %mul3A_188 = arith.mulf %div3A_184, %div3A_184 : vector<1x16xf32>
    %sub3A_189 = arith.subf %div3A_187, %mul3A_188 : vector<1x16xf32>
    %get3A_190 = arith.constant 0 : index
    %get3A_191 = arith.constant 0 : index
    %get3A_192 = vector.load %arg21[%get3A_190, %get3A_191] : memref<1x16xf32, #tpu.memory_space<vmem>>, vector<1x16xf32>
    %add3A_193 = arith.constant 9.99999974E-6 : f32
    %add3A_194 = vector.broadcast %add3A_193 : f32 to vector<1x16xf32>
    %add3A_195 = arith.addf %sub3A_189, %add3A_194 : vector<1x16xf32>
    %sqrt3A_196 = math.sqrt %add3A_195 : vector<1x16xf32>
    %div3A_197 = arith.divf %get3A_192, %sqrt3A_196 : vector<1x16xf32>
    %get3A_198 = arith.constant 0 : index
    %get3A_199 = arith.constant 0 : index
    %get3A_200 = vector.load %arg22[%get3A_198, %get3A_199] : memref<1x16xf32, #tpu.memory_space<vmem>>, vector<1x16xf32>
    %mul3A_201 = arith.mulf %div3A_184, %div3A_197 : vector<1x16xf32>
    %sub3A_202 = arith.subf %get3A_200, %mul3A_201 : vector<1x16xf32>
    %broadcast_in_dim3A_203 = arith.constant 0.000000e+00 : f32
    %broadcast_in_dim3A_204 = vector.broadcast %broadcast_in_dim3A_203 : f32 to vector<16x128xf32>
    %broadcast_in_dim3A_205 = arith.constant 0.000000e+00 : f32
    %broadcast_in_dim3A_206 = vector.broadcast %broadcast_in_dim3A_205 : f32 to vector<16x1xf32>
    %scan3A_207 = arith.constant 0 : i32
    %scan3A_208 = arith.constant 16 : i32
    %scan3A_209 = arith.addi %scan3A_207, %scan3A_208 : i32
    %scan3A_210 = arith.constant 1 : i32
    %scan3A_211:2 = scf.for %scan3A_318 = %scan3A_207 to %scan3A_209 step %scan3A_210 iter_args(%scan3A_319 = %broadcast_in_dim3A_204, %scan3A_320 = %broadcast_in_dim3A_206) -> (vector<16x128xf32>, vector<16x1xf32>)  : i32 {
      %mul3A_321 = arith.constant 512 : i32
      %mul3A_322 = arith.muli %scan3A_318, %mul3A_321 : i32
      %get3A_323 = arith.index_cast %mul3A_322 : i32 to index
      %get3A_324 = arith.constant 0 : index
      %get3A_325 = vector.load %arg36[%get3A_323, %get3A_324] : memref<8192x40xf32, #tpu.memory_space<vmem>>, vector<512x40xf32>
      %mul3A_326 = vector.broadcast %concatenate3A_153 : vector<1x40xf32> to vector<512x40xf32>
      %mul3A_327 = arith.mulf %get3A_325, %mul3A_326 : vector<512x40xf32>
      %add3A_328 = vector.broadcast %concatenate3A_154 : vector<1x40xf32> to vector<512x40xf32>
      %add3A_329 = arith.addf %mul3A_327, %add3A_328 : vector<512x40xf32>
      %get3A_330 = arith.index_cast %mul3A_322 : i32 to index
      %get3A_331 = arith.constant 0 : index
      %get3A_332 = vector.load %arg37[%get3A_330, %get3A_331] : memref<8192x16xf32, #tpu.memory_space<vmem>>, vector<512x16xf32>
      %mul3A_333 = vector.broadcast %div3A_197 : vector<1x16xf32> to vector<512x16xf32>
      %mul3A_334 = arith.mulf %get3A_332, %mul3A_333 : vector<512x16xf32>
      %add3A_335 = vector.broadcast %sub3A_202 : vector<1x16xf32> to vector<512x16xf32>
      %add3A_336 = arith.addf %mul3A_334, %add3A_335 : vector<512x16xf32>
      %mul3A_337 = arith.constant 512 : i32
      %mul3A_338 = arith.muli %scan3A_318, %mul3A_337 : i32
      %add3A_339 = arith.constant 0 : i32
      %add3A_340 = arith.addi %add3A_339, %mul3A_338 : i32
      %get3A_341 = arith.index_cast %add3A_340 : i32 to index
      %get3A_342 = arith.constant 0 : index
      %get3A_343 = vector.load %arg0[%get3A_341, %get3A_342] : memref<32768x128xf32, #tpu.memory_space<vmem>>, vector<512x128xf32>
      %mul3A_344 = arith.constant 512 : i32
      %mul3A_345 = arith.muli %scan3A_318, %mul3A_344 : i32
      %add3A_346 = arith.constant 8192 : i32
      %add3A_347 = arith.addi %add3A_346, %mul3A_345 : i32
      %get3A_348 = arith.index_cast %add3A_347 : i32 to index
      %get3A_349 = arith.constant 0 : index
      %get3A_350 = vector.load %arg0[%get3A_348, %get3A_349] : memref<32768x128xf32, #tpu.memory_space<vmem>>, vector<512x128xf32>
      %mul3A_351 = arith.constant 512 : i32
      %mul3A_352 = arith.muli %scan3A_318, %mul3A_351 : i32
      %add3A_353 = arith.constant 16384 : i32
      %add3A_354 = arith.addi %add3A_353, %mul3A_352 : i32
      %get3A_355 = arith.index_cast %add3A_354 : i32 to index
      %get3A_356 = arith.constant 0 : index
      %get3A_357 = vector.load %arg0[%get3A_355, %get3A_356] : memref<32768x128xf32, #tpu.memory_space<vmem>>, vector<512x128xf32>
      %mul3A_358 = arith.constant 512 : i32
      %mul3A_359 = arith.muli %scan3A_318, %mul3A_358 : i32
      %add3A_360 = arith.constant 24576 : i32
      %add3A_361 = arith.addi %add3A_360, %mul3A_359 : i32
      %get3A_362 = arith.index_cast %add3A_361 : i32 to index
      %get3A_363 = arith.constant 0 : index
      %get3A_364 = vector.load %arg0[%get3A_362, %get3A_363] : memref<32768x128xf32, #tpu.memory_space<vmem>>, vector<512x128xf32>
      %slice3A_365 = vector.extract_strided_slice %add3A_329 {offsets = [0, 0], sizes = [512, 10], strides = [1, 1]} : vector<512x40xf32> to vector<512x10xf32>
      %slice3A_366 = vector.extract_strided_slice %get3A_343 {offsets = [0, 30], sizes = [512, 40], strides = [1, 1]} : vector<512x128xf32> to vector<512x40xf32>
      %concatenate3A_367 = tpu.concatenate %slice3A_365, %slice3A_366 in 1 : vector<512x10xf32>, vector<512x40xf32> -> vector<512x50xf32>
      %convert_element_type3A_368 = arith.truncf %concatenate3A_367 : vector<512x50xf32> to vector<512x50xbf16>
      %convert_element_type3A_369 = arith.extf %convert_element_type3A_368 : vector<512x50xbf16> to vector<512x50xf32>
      %slice3A_370 = vector.extract_strided_slice %add3A_329 {offsets = [0, 10], sizes = [512, 10], strides = [1, 1]} : vector<512x40xf32> to vector<512x10xf32>
      %slice3A_371 = vector.extract_strided_slice %get3A_350 {offsets = [0, 30], sizes = [512, 40], strides = [1, 1]} : vector<512x128xf32> to vector<512x40xf32>
      %concatenate3A_372 = tpu.concatenate %slice3A_370, %slice3A_371 in 1 : vector<512x10xf32>, vector<512x40xf32> -> vector<512x50xf32>
      %convert_element_type3A_373 = arith.truncf %concatenate3A_372 : vector<512x50xf32> to vector<512x50xbf16>
      %convert_element_type3A_374 = arith.extf %convert_element_type3A_373 : vector<512x50xbf16> to vector<512x50xf32>
      %slice3A_375 = vector.extract_strided_slice %add3A_329 {offsets = [0, 20], sizes = [512, 10], strides = [1, 1]} : vector<512x40xf32> to vector<512x10xf32>
      %slice3A_376 = vector.extract_strided_slice %get3A_357 {offsets = [0, 30], sizes = [512, 40], strides = [1, 1]} : vector<512x128xf32> to vector<512x40xf32>
      %concatenate3A_377 = tpu.concatenate %slice3A_375, %slice3A_376 in 1 : vector<512x10xf32>, vector<512x40xf32> -> vector<512x50xf32>
      %convert_element_type3A_378 = arith.truncf %concatenate3A_377 : vector<512x50xf32> to vector<512x50xbf16>
      %convert_element_type3A_379 = arith.extf %convert_element_type3A_378 : vector<512x50xbf16> to vector<512x50xf32>
      %slice3A_380 = vector.extract_strided_slice %add3A_329 {offsets = [0, 30], sizes = [512, 10], strides = [1, 1]} : vector<512x40xf32> to vector<512x10xf32>
      %slice3A_381 = vector.extract_strided_slice %get3A_364 {offsets = [0, 30], sizes = [512, 40], strides = [1, 1]} : vector<512x128xf32> to vector<512x40xf32>
      %concatenate3A_382 = tpu.concatenate %slice3A_380, %slice3A_381 in 1 : vector<512x10xf32>, vector<512x40xf32> -> vector<512x50xf32>
      %convert_element_type3A_383 = arith.truncf %concatenate3A_382 : vector<512x50xf32> to vector<512x50xbf16>
      %convert_element_type3A_384 = arith.extf %convert_element_type3A_383 : vector<512x50xbf16> to vector<512x50xf32>
      %convert_element_type3A_385 = arith.truncf %add3A_336 : vector<512x16xf32> to vector<512x16xbf16>
      %convert_element_type3A_386 = arith.extf %convert_element_type3A_385 : vector<512x16xbf16> to vector<512x16xf32>
      %slice3A_387 = vector.extract_strided_slice %convert_element_type3A_386 {offsets = [0, 0], sizes = [512, 1], strides = [1, 1]} : vector<512x16xf32> to vector<512x1xf32>
      %mul3A_388 = vector.broadcast %slice3A_387 : vector<512x1xf32> to vector<512x50xf32>
      %mul3A_389 = arith.mulf %convert_element_type3A_369, %mul3A_388 : vector<512x50xf32>
      %add3A_390 = arith.constant 0.000000e+00 : f32
      %add3A_391 = vector.broadcast %add3A_390 : f32 to vector<512x50xf32>
      %add3A_392 = arith.addf %add3A_391, %mul3A_389 : vector<512x50xf32>
      %slice3A_393 = vector.extract_strided_slice %convert_element_type3A_386 {offsets = [0, 4], sizes = [512, 1], strides = [1, 1]} : vector<512x16xf32> to vector<512x1xf32>
      %mul3A_394 = vector.broadcast %slice3A_393 : vector<512x1xf32> to vector<512x50xf32>
      %mul3A_395 = arith.mulf %convert_element_type3A_374, %mul3A_394 : vector<512x50xf32>
      %add3A_396 = arith.addf %add3A_392, %mul3A_395 : vector<512x50xf32>
      %slice3A_397 = vector.extract_strided_slice %convert_element_type3A_386 {offsets = [0, 8], sizes = [512, 1], strides = [1, 1]} : vector<512x16xf32> to vector<512x1xf32>
      %mul3A_398 = vector.broadcast %slice3A_397 : vector<512x1xf32> to vector<512x50xf32>
      %mul3A_399 = arith.mulf %convert_element_type3A_379, %mul3A_398 : vector<512x50xf32>
      %add3A_400 = arith.addf %add3A_396, %mul3A_399 : vector<512x50xf32>
      %slice3A_401 = vector.extract_strided_slice %convert_element_type3A_386 {offsets = [0, 12], sizes = [512, 1], strides = [1, 1]} : vector<512x16xf32> to vector<512x1xf32>
      %mul3A_402 = vector.broadcast %slice3A_401 : vector<512x1xf32> to vector<512x50xf32>
      %mul3A_403 = arith.mulf %convert_element_type3A_384, %mul3A_402 : vector<512x50xf32>
      %add3A_404 = arith.addf %add3A_400, %mul3A_403 : vector<512x50xf32>
      %slice3A_405 = vector.extract_strided_slice %convert_element_type3A_386 {offsets = [0, 1], sizes = [512, 1], strides = [1, 1]} : vector<512x16xf32> to vector<512x1xf32>
      %mul3A_406 = vector.broadcast %slice3A_405 : vector<512x1xf32> to vector<512x50xf32>
      %mul3A_407 = arith.mulf %convert_element_type3A_369, %mul3A_406 : vector<512x50xf32>
      %add3A_408 = arith.constant 0.000000e+00 : f32
      %add3A_409 = vector.broadcast %add3A_408 : f32 to vector<512x50xf32>
      %add3A_410 = arith.addf %add3A_409, %mul3A_407 : vector<512x50xf32>
      %slice3A_411 = vector.extract_strided_slice %convert_element_type3A_386 {offsets = [0, 5], sizes = [512, 1], strides = [1, 1]} : vector<512x16xf32> to vector<512x1xf32>
      %mul3A_412 = vector.broadcast %slice3A_411 : vector<512x1xf32> to vector<512x50xf32>
      %mul3A_413 = arith.mulf %convert_element_type3A_374, %mul3A_412 : vector<512x50xf32>
      %add3A_414 = arith.addf %add3A_410, %mul3A_413 : vector<512x50xf32>
      %slice3A_415 = vector.extract_strided_slice %convert_element_type3A_386 {offsets = [0, 9], sizes = [512, 1], strides = [1, 1]} : vector<512x16xf32> to vector<512x1xf32>
      %mul3A_416 = vector.broadcast %slice3A_415 : vector<512x1xf32> to vector<512x50xf32>
      %mul3A_417 = arith.mulf %convert_element_type3A_379, %mul3A_416 : vector<512x50xf32>
      %add3A_418 = arith.addf %add3A_414, %mul3A_417 : vector<512x50xf32>
      %slice3A_419 = vector.extract_strided_slice %convert_element_type3A_386 {offsets = [0, 13], sizes = [512, 1], strides = [1, 1]} : vector<512x16xf32> to vector<512x1xf32>
      %mul3A_420 = vector.broadcast %slice3A_419 : vector<512x1xf32> to vector<512x50xf32>
      %mul3A_421 = arith.mulf %convert_element_type3A_384, %mul3A_420 : vector<512x50xf32>
      %add3A_422 = arith.addf %add3A_418, %mul3A_421 : vector<512x50xf32>
      %slice3A_423 = vector.extract_strided_slice %convert_element_type3A_386 {offsets = [0, 2], sizes = [512, 1], strides = [1, 1]} : vector<512x16xf32> to vector<512x1xf32>
      %mul3A_424 = vector.broadcast %slice3A_423 : vector<512x1xf32> to vector<512x50xf32>
      %mul3A_425 = arith.mulf %convert_element_type3A_369, %mul3A_424 : vector<512x50xf32>
      %add3A_426 = arith.constant 0.000000e+00 : f32
      %add3A_427 = vector.broadcast %add3A_426 : f32 to vector<512x50xf32>
      %add3A_428 = arith.addf %add3A_427, %mul3A_425 : vector<512x50xf32>
      %slice3A_429 = vector.extract_strided_slice %convert_element_type3A_386 {offsets = [0, 6], sizes = [512, 1], strides = [1, 1]} : vector<512x16xf32> to vector<512x1xf32>
      %mul3A_430 = vector.broadcast %slice3A_429 : vector<512x1xf32> to vector<512x50xf32>
      %mul3A_431 = arith.mulf %convert_element_type3A_374, %mul3A_430 : vector<512x50xf32>
      %add3A_432 = arith.addf %add3A_428, %mul3A_431 : vector<512x50xf32>
      %slice3A_433 = vector.extract_strided_slice %convert_element_type3A_386 {offsets = [0, 10], sizes = [512, 1], strides = [1, 1]} : vector<512x16xf32> to vector<512x1xf32>
      %mul3A_434 = vector.broadcast %slice3A_433 : vector<512x1xf32> to vector<512x50xf32>
      %mul3A_435 = arith.mulf %convert_element_type3A_379, %mul3A_434 : vector<512x50xf32>
      %add3A_436 = arith.addf %add3A_432, %mul3A_435 : vector<512x50xf32>
      %slice3A_437 = vector.extract_strided_slice %convert_element_type3A_386 {offsets = [0, 14], sizes = [512, 1], strides = [1, 1]} : vector<512x16xf32> to vector<512x1xf32>
      %mul3A_438 = vector.broadcast %slice3A_437 : vector<512x1xf32> to vector<512x50xf32>
      %mul3A_439 = arith.mulf %convert_element_type3A_384, %mul3A_438 : vector<512x50xf32>
      %add3A_440 = arith.addf %add3A_436, %mul3A_439 : vector<512x50xf32>
      %slice3A_441 = vector.extract_strided_slice %convert_element_type3A_386 {offsets = [0, 3], sizes = [512, 1], strides = [1, 1]} : vector<512x16xf32> to vector<512x1xf32>
      %mul3A_442 = vector.broadcast %slice3A_441 : vector<512x1xf32> to vector<512x50xf32>
      %mul3A_443 = arith.mulf %convert_element_type3A_369, %mul3A_442 : vector<512x50xf32>
      %add3A_444 = arith.constant 0.000000e+00 : f32
      %add3A_445 = vector.broadcast %add3A_444 : f32 to vector<512x50xf32>
      %add3A_446 = arith.addf %add3A_445, %mul3A_443 : vector<512x50xf32>
      %slice3A_447 = vector.extract_strided_slice %convert_element_type3A_386 {offsets = [0, 7], sizes = [512, 1], strides = [1, 1]} : vector<512x16xf32> to vector<512x1xf32>
      %mul3A_448 = vector.broadcast %slice3A_447 : vector<512x1xf32> to vector<512x50xf32>
      %mul3A_449 = arith.mulf %convert_element_type3A_374, %mul3A_448 : vector<512x50xf32>
      %add3A_450 = arith.addf %add3A_446, %mul3A_449 : vector<512x50xf32>
      %slice3A_451 = vector.extract_strided_slice %convert_element_type3A_386 {offsets = [0, 11], sizes = [512, 1], strides = [1, 1]} : vector<512x16xf32> to vector<512x1xf32>
      %mul3A_452 = vector.broadcast %slice3A_451 : vector<512x1xf32> to vector<512x50xf32>
      %mul3A_453 = arith.mulf %convert_element_type3A_379, %mul3A_452 : vector<512x50xf32>
      %add3A_454 = arith.addf %add3A_450, %mul3A_453 : vector<512x50xf32>
      %slice3A_455 = vector.extract_strided_slice %convert_element_type3A_386 {offsets = [0, 15], sizes = [512, 1], strides = [1, 1]} : vector<512x16xf32> to vector<512x1xf32>
      %mul3A_456 = vector.broadcast %slice3A_455 : vector<512x1xf32> to vector<512x50xf32>
      %mul3A_457 = arith.mulf %convert_element_type3A_384, %mul3A_456 : vector<512x50xf32>
      %add3A_458 = arith.addf %add3A_454, %mul3A_457 : vector<512x50xf32>
      %convert_element_type3A_459 = arith.truncf %get3A_31 : vector<12x50xf32> to vector<12x50xbf16>
      %convert_element_type3A_460 = arith.extf %convert_element_type3A_459 : vector<12x50xbf16> to vector<12x50xf32>
      %slice3A_461 = vector.extract_strided_slice %get3A_34 {offsets = [0, 0], sizes = [1, 50], strides = [1, 1]} : vector<3x50xf32> to vector<1x50xf32>
      %convert_element_type3A_462 = arith.truncf %add3A_404 : vector<512x50xf32> to vector<512x50xbf16>
      %convert_element_type3A_463 = arith.extf %convert_element_type3A_462 : vector<512x50xbf16> to vector<512x50xf32>
      %slice3A_464 = vector.extract_strided_slice %convert_element_type3A_460 {offsets = [0, 0], sizes = [1, 50], strides = [1, 1]} : vector<12x50xf32> to vector<1x50xf32>
      %mul3A_465 = vector.broadcast %slice3A_464 : vector<1x50xf32> to vector<512x50xf32>
      %mul3A_466 = arith.mulf %convert_element_type3A_463, %mul3A_465 : vector<512x50xf32>
      %add3A_467 = vector.broadcast %slice3A_461 : vector<1x50xf32> to vector<512x50xf32>
      %add3A_468 = arith.addf %add3A_467, %mul3A_466 : vector<512x50xf32>
      %convert_element_type3A_469 = arith.truncf %add3A_422 : vector<512x50xf32> to vector<512x50xbf16>
      %convert_element_type3A_470 = arith.extf %convert_element_type3A_469 : vector<512x50xbf16> to vector<512x50xf32>
      %slice3A_471 = vector.extract_strided_slice %convert_element_type3A_460 {offsets = [1, 0], sizes = [1, 50], strides = [1, 1]} : vector<12x50xf32> to vector<1x50xf32>
      %mul3A_472 = vector.broadcast %slice3A_471 : vector<1x50xf32> to vector<512x50xf32>
      %mul3A_473 = arith.mulf %convert_element_type3A_470, %mul3A_472 : vector<512x50xf32>
      %add3A_474 = arith.addf %add3A_468, %mul3A_473 : vector<512x50xf32>
      %convert_element_type3A_475 = arith.truncf %add3A_440 : vector<512x50xf32> to vector<512x50xbf16>
      %convert_element_type3A_476 = arith.extf %convert_element_type3A_475 : vector<512x50xbf16> to vector<512x50xf32>
      %slice3A_477 = vector.extract_strided_slice %convert_element_type3A_460 {offsets = [2, 0], sizes = [1, 50], strides = [1, 1]} : vector<12x50xf32> to vector<1x50xf32>
      %mul3A_478 = vector.broadcast %slice3A_477 : vector<1x50xf32> to vector<512x50xf32>
      %mul3A_479 = arith.mulf %convert_element_type3A_476, %mul3A_478 : vector<512x50xf32>
      %add3A_480 = arith.addf %add3A_474, %mul3A_479 : vector<512x50xf32>
      %convert_element_type3A_481 = arith.truncf %add3A_458 : vector<512x50xf32> to vector<512x50xbf16>
      %convert_element_type3A_482 = arith.extf %convert_element_type3A_481 : vector<512x50xbf16> to vector<512x50xf32>
      %slice3A_483 = vector.extract_strided_slice %convert_element_type3A_460 {offsets = [3, 0], sizes = [1, 50], strides = [1, 1]} : vector<12x50xf32> to vector<1x50xf32>
      %mul3A_484 = vector.broadcast %slice3A_483 : vector<1x50xf32> to vector<512x50xf32>
      %mul3A_485 = arith.mulf %convert_element_type3A_482, %mul3A_484 : vector<512x50xf32>
      %add3A_486 = arith.addf %add3A_480, %mul3A_485 : vector<512x50xf32>
      %slice3A_487 = vector.extract_strided_slice %get3A_37 {offsets = [0, 0], sizes = [50, 128], strides = [1, 1]} : vector<150x128xf32> to vector<50x128xf32>
      %convert_element_type3A_488 = arith.truncf %add3A_486 : vector<512x50xf32> to vector<512x50xbf16>
      %convert_element_type3A_489 = arith.truncf %slice3A_487 : vector<50x128xf32> to vector<50x128xbf16>
      %dot_general3A_490 = arith.constant dense<0.000000e+00> : vector<512x128xf32>
      %dot_general3A_491 = tpu.matmul %convert_element_type3A_488, %convert_element_type3A_489, %dot_general3A_490 {dimension_numbers = #tpu.dot_dimension_numbers<[1], [0], [0], [1], [0, 0, 1, 1], [], []>, transpose_lhs_hint = false} : vector<512x50xbf16>, vector<50x128xbf16>, vector<512x128xf32> -> vector<512x128xf32>
      %add3A_492 = vector.broadcast %get3A_40 : vector<1x128xf32> to vector<512x128xf32>
      %add3A_493 = arith.addf %add3A_492, %dot_general3A_491 : vector<512x128xf32>
      %slice3A_494 = vector.extract_strided_slice %get3A_34 {offsets = [1, 0], sizes = [1, 50], strides = [1, 1]} : vector<3x50xf32> to vector<1x50xf32>
      %convert_element_type3A_495 = arith.truncf %add3A_404 : vector<512x50xf32> to vector<512x50xbf16>
      %convert_element_type3A_496 = arith.extf %convert_element_type3A_495 : vector<512x50xbf16> to vector<512x50xf32>
      %slice3A_497 = vector.extract_strided_slice %convert_element_type3A_460 {offsets = [4, 0], sizes = [1, 50], strides = [1, 1]} : vector<12x50xf32> to vector<1x50xf32>
      %mul3A_498 = vector.broadcast %slice3A_497 : vector<1x50xf32> to vector<512x50xf32>
      %mul3A_499 = arith.mulf %convert_element_type3A_496, %mul3A_498 : vector<512x50xf32>
      %add3A_500 = vector.broadcast %slice3A_494 : vector<1x50xf32> to vector<512x50xf32>
      %add3A_501 = arith.addf %add3A_500, %mul3A_499 : vector<512x50xf32>
      %convert_element_type3A_502 = arith.truncf %add3A_422 : vector<512x50xf32> to vector<512x50xbf16>
      %convert_element_type3A_503 = arith.extf %convert_element_type3A_502 : vector<512x50xbf16> to vector<512x50xf32>
      %slice3A_504 = vector.extract_strided_slice %convert_element_type3A_460 {offsets = [5, 0], sizes = [1, 50], strides = [1, 1]} : vector<12x50xf32> to vector<1x50xf32>
      %mul3A_505 = vector.broadcast %slice3A_504 : vector<1x50xf32> to vector<512x50xf32>
      %mul3A_506 = arith.mulf %convert_element_type3A_503, %mul3A_505 : vector<512x50xf32>
      %add3A_507 = arith.addf %add3A_501, %mul3A_506 : vector<512x50xf32>
      %convert_element_type3A_508 = arith.truncf %add3A_440 : vector<512x50xf32> to vector<512x50xbf16>
      %convert_element_type3A_509 = arith.extf %convert_element_type3A_508 : vector<512x50xbf16> to vector<512x50xf32>
      %slice3A_510 = vector.extract_strided_slice %convert_element_type3A_460 {offsets = [6, 0], sizes = [1, 50], strides = [1, 1]} : vector<12x50xf32> to vector<1x50xf32>
      %mul3A_511 = vector.broadcast %slice3A_510 : vector<1x50xf32> to vector<512x50xf32>
      %mul3A_512 = arith.mulf %convert_element_type3A_509, %mul3A_511 : vector<512x50xf32>
      %add3A_513 = arith.addf %add3A_507, %mul3A_512 : vector<512x50xf32>
      %convert_element_type3A_514 = arith.truncf %add3A_458 : vector<512x50xf32> to vector<512x50xbf16>
      %convert_element_type3A_515 = arith.extf %convert_element_type3A_514 : vector<512x50xbf16> to vector<512x50xf32>
      %slice3A_516 = vector.extract_strided_slice %convert_element_type3A_460 {offsets = [7, 0], sizes = [1, 50], strides = [1, 1]} : vector<12x50xf32> to vector<1x50xf32>
      %mul3A_517 = vector.broadcast %slice3A_516 : vector<1x50xf32> to vector<512x50xf32>
      %mul3A_518 = arith.mulf %convert_element_type3A_515, %mul3A_517 : vector<512x50xf32>
      %add3A_519 = arith.addf %add3A_513, %mul3A_518 : vector<512x50xf32>
      %slice3A_520 = vector.extract_strided_slice %get3A_37 {offsets = [50, 0], sizes = [50, 128], strides = [1, 1]} : vector<150x128xf32> to vector<50x128xf32>
      %convert_element_type3A_521 = arith.truncf %add3A_519 : vector<512x50xf32> to vector<512x50xbf16>
      %convert_element_type3A_522 = arith.truncf %slice3A_520 : vector<50x128xf32> to vector<50x128xbf16>
      %dot_general3A_523 = arith.constant dense<0.000000e+00> : vector<512x128xf32>
      %dot_general3A_524 = tpu.matmul %convert_element_type3A_521, %convert_element_type3A_522, %dot_general3A_523 {dimension_numbers = #tpu.dot_dimension_numbers<[1], [0], [0], [1], [0, 0, 1, 1], [], []>, transpose_lhs_hint = false} : vector<512x50xbf16>, vector<50x128xbf16>, vector<512x128xf32> -> vector<512x128xf32>
      %add3A_525 = arith.addf %add3A_493, %dot_general3A_524 : vector<512x128xf32>
      %slice3A_526 = vector.extract_strided_slice %get3A_34 {offsets = [2, 0], sizes = [1, 50], strides = [1, 1]} : vector<3x50xf32> to vector<1x50xf32>
      %convert_element_type3A_527 = arith.truncf %add3A_404 : vector<512x50xf32> to vector<512x50xbf16>
      %convert_element_type3A_528 = arith.extf %convert_element_type3A_527 : vector<512x50xbf16> to vector<512x50xf32>
      %slice3A_529 = vector.extract_strided_slice %convert_element_type3A_460 {offsets = [8, 0], sizes = [1, 50], strides = [1, 1]} : vector<12x50xf32> to vector<1x50xf32>
      %mul3A_530 = vector.broadcast %slice3A_529 : vector<1x50xf32> to vector<512x50xf32>
      %mul3A_531 = arith.mulf %convert_element_type3A_528, %mul3A_530 : vector<512x50xf32>
      %add3A_532 = vector.broadcast %slice3A_526 : vector<1x50xf32> to vector<512x50xf32>
      %add3A_533 = arith.addf %add3A_532, %mul3A_531 : vector<512x50xf32>
      %convert_element_type3A_534 = arith.truncf %add3A_422 : vector<512x50xf32> to vector<512x50xbf16>
      %convert_element_type3A_535 = arith.extf %convert_element_type3A_534 : vector<512x50xbf16> to vector<512x50xf32>
      %slice3A_536 = vector.extract_strided_slice %convert_element_type3A_460 {offsets = [9, 0], sizes = [1, 50], strides = [1, 1]} : vector<12x50xf32> to vector<1x50xf32>
      %mul3A_537 = vector.broadcast %slice3A_536 : vector<1x50xf32> to vector<512x50xf32>
      %mul3A_538 = arith.mulf %convert_element_type3A_535, %mul3A_537 : vector<512x50xf32>
      %add3A_539 = arith.addf %add3A_533, %mul3A_538 : vector<512x50xf32>
      %convert_element_type3A_540 = arith.truncf %add3A_440 : vector<512x50xf32> to vector<512x50xbf16>
      %convert_element_type3A_541 = arith.extf %convert_element_type3A_540 : vector<512x50xbf16> to vector<512x50xf32>
      %slice3A_542 = vector.extract_strided_slice %convert_element_type3A_460 {offsets = [10, 0], sizes = [1, 50], strides = [1, 1]} : vector<12x50xf32> to vector<1x50xf32>
      %mul3A_543 = vector.broadcast %slice3A_542 : vector<1x50xf32> to vector<512x50xf32>
      %mul3A_544 = arith.mulf %convert_element_type3A_541, %mul3A_543 : vector<512x50xf32>
      %add3A_545 = arith.addf %add3A_539, %mul3A_544 : vector<512x50xf32>
      %convert_element_type3A_546 = arith.truncf %add3A_458 : vector<512x50xf32> to vector<512x50xbf16>
      %convert_element_type3A_547 = arith.extf %convert_element_type3A_546 : vector<512x50xbf16> to vector<512x50xf32>
      %slice3A_548 = vector.extract_strided_slice %convert_element_type3A_460 {offsets = [11, 0], sizes = [1, 50], strides = [1, 1]} : vector<12x50xf32> to vector<1x50xf32>
      %mul3A_549 = vector.broadcast %slice3A_548 : vector<1x50xf32> to vector<512x50xf32>
      %mul3A_550 = arith.mulf %convert_element_type3A_547, %mul3A_549 : vector<512x50xf32>
      %add3A_551 = arith.addf %add3A_545, %mul3A_550 : vector<512x50xf32>
      %slice3A_552 = vector.extract_strided_slice %get3A_37 {offsets = [100, 0], sizes = [50, 128], strides = [1, 1]} : vector<150x128xf32> to vector<50x128xf32>
      %convert_element_type3A_553 = arith.truncf %add3A_551 : vector<512x50xf32> to vector<512x50xbf16>
      %convert_element_type3A_554 = arith.truncf %slice3A_552 : vector<50x128xf32> to vector<50x128xbf16>
      %dot_general3A_555 = arith.constant dense<0.000000e+00> : vector<512x128xf32>
      %dot_general3A_556 = tpu.matmul %convert_element_type3A_553, %convert_element_type3A_554, %dot_general3A_555 {dimension_numbers = #tpu.dot_dimension_numbers<[1], [0], [0], [1], [0, 0, 1, 1], [], []>, transpose_lhs_hint = false} : vector<512x50xbf16>, vector<50x128xbf16>, vector<512x128xf32> -> vector<512x128xf32>
      %add3A_557 = arith.addf %add3A_525, %dot_general3A_556 : vector<512x128xf32>
      %get3A_558 = arith.constant 0 : index
      %get3A_559 = arith.index_cast %mul3A_322 : i32 to index
      %get3A_560 = vector.load %arg2[%get3A_558, %get3A_559] : memref<1x8192xf32, #tpu.memory_space<vmem>>, vector<1x512xf32>
      %iota3A = tpu.iota {dimensions = array<i32: 0>} : vector<16x512xi32>
      %convert_element_type3A_561 = arith.sitofp %iota3A : vector<16x512xi32> to vector<16x512xf32>
      %eq3A = vector.broadcast %get3A_560 : vector<1x512xf32> to vector<16x512xf32>
      %eq3A_562 = arith.cmpf oeq, %convert_element_type3A_561, %eq3A : vector<16x512xf32>
      %convert_element_type3A_563 = arith.extui %eq3A_562 : vector<16x512xi1> to vector<16x512xi32>
      %convert_element_type3A_564 = arith.sitofp %convert_element_type3A_563 : vector<16x512xi32> to vector<16x512xf32>
      %dot_general3A_565 = arith.constant dense<0.000000e+00> : vector<16x128xf32>
      %dot_general3A_566 = tpu.matmul %convert_element_type3A_564, %add3A_557, %dot_general3A_565 {dimension_numbers = #tpu.dot_dimension_numbers<[1], [0], [0], [1], [0, 0, 1, 1], [], []>, precision = #tpu.contract_precision<fp32>, transpose_lhs_hint = false} : vector<16x512xf32>, vector<512x128xf32>, vector<16x128xf32> -> vector<16x128xf32>
      %add3A_567 = arith.addf %scan3A_319, %dot_general3A_566 : vector<16x128xf32>
      %reduce_sum3A_568 = arith.constant dense<0.000000e+00> : vector<16xf32>
      %reduce_sum3A_569 = vector.multi_reduction <add>, %convert_element_type3A_564, %reduce_sum3A_568 [1] : vector<16x512xf32> to vector<16xf32>
      %broadcast_in_dim3A_570 = vector.shape_cast %reduce_sum3A_569 : vector<16xf32> to vector<16x1xf32>
      %add3A_571 = arith.addf %scan3A_320, %broadcast_in_dim3A_570 : vector<16x1xf32>
      scf.yield %add3A_567, %add3A_571 : vector<16x128xf32>, vector<16x1xf32>
    }
    %scan3A_212 = arith.constant 16 : i32
    %max3A = arith.constant 1.000000e+00 : f32
    %max3A_213 = vector.broadcast %max3A : f32 to vector<16x1xf32>
    %max3A_214 = arith.maximumf %scan3A_211#1, %max3A_213 : vector<16x1xf32>
    %div3A_215 = vector.broadcast %max3A_214 : vector<16x1xf32> to vector<16x128xf32>
    %div3A_216 = arith.divf %scan3A_211#0, %div3A_215 : vector<16x128xf32>
    %get3A_217 = arith.constant 0 : index
    %get3A_218 = arith.constant 0 : index
    %get3A_219 = vector.load %arg27[%get3A_217, %get3A_218] : memref<128x256xf32, #tpu.memory_space<vmem>>, vector<128x256xf32>
    %convert_element_type3A = arith.truncf %div3A_216 : vector<16x128xf32> to vector<16x128xbf16>
    %convert_element_type3A_220 = arith.truncf %get3A_219 : vector<128x256xf32> to vector<128x256xbf16>
    %dot_general3A = arith.constant dense<0.000000e+00> : vector<16x256xf32>
    %dot_general3A_221 = tpu.matmul %convert_element_type3A, %convert_element_type3A_220, %dot_general3A {dimension_numbers = #tpu.dot_dimension_numbers<[1], [0], [0], [1], [0, 0, 1, 1], [], []>, transpose_lhs_hint = false} : vector<16x128xbf16>, vector<128x256xbf16>, vector<16x256xf32> -> vector<16x256xf32>
    %get3A_222 = arith.constant 0 : index
    %get3A_223 = arith.constant 0 : index
    %get3A_224 = vector.load %arg28[%get3A_222, %get3A_223] : memref<1x256xf32, #tpu.memory_space<vmem>>, vector<1x256xf32>
    %add3A_225 = vector.broadcast %get3A_224 : vector<1x256xf32> to vector<16x256xf32>
    %add3A_226 = arith.addf %dot_general3A_221, %add3A_225 : vector<16x256xf32>
    %max3A_227 = arith.constant 0.000000e+00 : f32
    %max3A_228 = vector.broadcast %max3A_227 : f32 to vector<16x256xf32>
    %max3A_229 = arith.maximumf %add3A_226, %max3A_228 : vector<16x256xf32>
    %reduce_sum3A = arith.constant dense<0.000000e+00> : vector<256xf32>
    %reduce_sum3A_230 = vector.multi_reduction <add>, %max3A_229, %reduce_sum3A [0] : vector<16x256xf32> to vector<256xf32>
    %broadcast_in_dim3A_231 = vector.shape_cast %reduce_sum3A_230 : vector<256xf32> to vector<1x256xf32>
    %mul3A_232 = arith.mulf %max3A_229, %max3A_229 : vector<16x256xf32>
    %reduce_sum3A_233 = arith.constant dense<0.000000e+00> : vector<256xf32>
    %reduce_sum3A_234 = vector.multi_reduction <add>, %mul3A_232, %reduce_sum3A_233 [0] : vector<16x256xf32> to vector<256xf32>
    %broadcast_in_dim3A_235 = vector.shape_cast %reduce_sum3A_234 : vector<256xf32> to vector<1x256xf32>
    %div3A_236 = arith.constant 1.600000e+01 : f32
    %div3A_237 = vector.broadcast %div3A_236 : f32 to vector<1x256xf32>
    %div3A_238 = arith.divf %broadcast_in_dim3A_231, %div3A_237 : vector<1x256xf32>
    %div3A_239 = arith.constant 1.600000e+01 : f32
    %div3A_240 = vector.broadcast %div3A_239 : f32 to vector<1x256xf32>
    %div3A_241 = arith.divf %broadcast_in_dim3A_235, %div3A_240 : vector<1x256xf32>
    %mul3A_242 = arith.mulf %div3A_238, %div3A_238 : vector<1x256xf32>
    %sub3A_243 = arith.subf %div3A_241, %mul3A_242 : vector<1x256xf32>
    %get3A_244 = arith.constant 0 : index
    %get3A_245 = arith.constant 0 : index
    %get3A_246 = vector.load %arg29[%get3A_244, %get3A_245] : memref<1x256xf32, #tpu.memory_space<vmem>>, vector<1x256xf32>
    %add3A_247 = arith.constant 9.99999974E-6 : f32
    %add3A_248 = vector.broadcast %add3A_247 : f32 to vector<1x256xf32>
    %add3A_249 = arith.addf %sub3A_243, %add3A_248 : vector<1x256xf32>
    %sqrt3A_250 = math.sqrt %add3A_249 : vector<1x256xf32>
    %div3A_251 = arith.divf %get3A_246, %sqrt3A_250 : vector<1x256xf32>
    %get3A_252 = arith.constant 0 : index
    %get3A_253 = arith.constant 0 : index
    %get3A_254 = vector.load %arg30[%get3A_252, %get3A_253] : memref<1x256xf32, #tpu.memory_space<vmem>>, vector<1x256xf32>
    %mul3A_255 = arith.mulf %div3A_238, %div3A_251 : vector<1x256xf32>
    %sub3A_256 = arith.subf %get3A_254, %mul3A_255 : vector<1x256xf32>
    %mul3A_257 = vector.broadcast %div3A_251 : vector<1x256xf32> to vector<16x256xf32>
    %mul3A_258 = arith.mulf %max3A_229, %mul3A_257 : vector<16x256xf32>
    %add3A_259 = vector.broadcast %sub3A_256 : vector<1x256xf32> to vector<16x256xf32>
    %add3A_260 = arith.addf %mul3A_258, %add3A_259 : vector<16x256xf32>
    %get3A_261 = arith.constant 0 : index
    %get3A_262 = arith.constant 0 : index
    %get3A_263 = vector.load %arg31[%get3A_261, %get3A_262] : memref<256x1xf32, #tpu.memory_space<vmem>>, vector<256x1xf32>
    %convert_element_type3A_264 = arith.truncf %add3A_260 : vector<16x256xf32> to vector<16x256xbf16>
    %convert_element_type3A_265 = arith.truncf %get3A_263 : vector<256x1xf32> to vector<256x1xbf16>
    %dot_general3A_266 = arith.constant dense<0.000000e+00> : vector<16x1xf32>
    %dot_general3A_267 = tpu.matmul %convert_element_type3A_264, %convert_element_type3A_265, %dot_general3A_266 {dimension_numbers = #tpu.dot_dimension_numbers<[1], [0], [0], [1], [0, 0, 1, 1], [], []>, transpose_lhs_hint = false} : vector<16x256xbf16>, vector<256x1xbf16>, vector<16x1xf32> -> vector<16x1xf32>
    %get3A_268 = arith.constant 0 : index
    %get3A_269 = arith.constant 0 : index
    %get3A_270 = vector.load %arg32[%get3A_268, %get3A_269] : memref<1x1xf32, #tpu.memory_space<vmem>>, vector<1x1xf32>
    %add3A_271 = vector.broadcast %get3A_270 : vector<1x1xf32> to vector<16x1xf32>
    %add3A_272 = arith.addf %dot_general3A_267, %add3A_271 : vector<16x1xf32>
    %max3A_273 = arith.constant 0.000000e+00 : f32
    %max3A_274 = vector.broadcast %max3A_273 : f32 to vector<16x1xf32>
    %max3A_275 = arith.maximumf %add3A_272, %max3A_274 : vector<16x1xf32>
    %reduce_sum3A_276 = arith.constant dense<0.000000e+00> : vector<1xf32>
    %reduce_sum3A_277 = vector.multi_reduction <add>, %max3A_275, %reduce_sum3A_276 [0] : vector<16x1xf32> to vector<1xf32>
    %broadcast_in_dim3A_278 = vector.shape_cast %reduce_sum3A_277 : vector<1xf32> to vector<1x1xf32>
    %mul3A_279 = arith.mulf %max3A_275, %max3A_275 : vector<16x1xf32>
    %reduce_sum3A_280 = arith.constant dense<0.000000e+00> : vector<1xf32>
    %reduce_sum3A_281 = vector.multi_reduction <add>, %mul3A_279, %reduce_sum3A_280 [0] : vector<16x1xf32> to vector<1xf32>
    %broadcast_in_dim3A_282 = vector.shape_cast %reduce_sum3A_281 : vector<1xf32> to vector<1x1xf32>
    %div3A_283 = arith.constant 1.600000e+01 : f32
    %div3A_284 = vector.broadcast %div3A_283 : f32 to vector<1x1xf32>
    %div3A_285 = arith.divf %broadcast_in_dim3A_278, %div3A_284 : vector<1x1xf32>
    %div3A_286 = arith.constant 1.600000e+01 : f32
    %div3A_287 = vector.broadcast %div3A_286 : f32 to vector<1x1xf32>
    %div3A_288 = arith.divf %broadcast_in_dim3A_282, %div3A_287 : vector<1x1xf32>
    %mul3A_289 = arith.mulf %div3A_285, %div3A_285 : vector<1x1xf32>
    %sub3A_290 = arith.subf %div3A_288, %mul3A_289 : vector<1x1xf32>
    %get3A_291 = arith.constant 0 : index
    %get3A_292 = arith.constant 0 : index
    %get3A_293 = vector.load %arg33[%get3A_291, %get3A_292] : memref<1x1xf32, #tpu.memory_space<vmem>>, vector<1x1xf32>
    %add3A_294 = arith.constant 9.99999974E-6 : f32
    %add3A_295 = vector.broadcast %add3A_294 : f32 to vector<1x1xf32>
    %add3A_296 = arith.addf %sub3A_290, %add3A_295 : vector<1x1xf32>
    %sqrt3A_297 = math.sqrt %add3A_296 : vector<1x1xf32>
    %div3A_298 = arith.divf %get3A_293, %sqrt3A_297 : vector<1x1xf32>
    %get3A_299 = arith.constant 0 : index
    %get3A_300 = arith.constant 0 : index
    %get3A_301 = vector.load %arg34[%get3A_299, %get3A_300] : memref<1x1xf32, #tpu.memory_space<vmem>>, vector<1x1xf32>
    %mul3A_302 = arith.mulf %div3A_285, %div3A_298 : vector<1x1xf32>
    %sub3A_303 = arith.subf %get3A_301, %mul3A_302 : vector<1x1xf32>
    %mul3A_304 = vector.broadcast %div3A_298 : vector<1x1xf32> to vector<16x1xf32>
    %mul3A_305 = arith.mulf %max3A_275, %mul3A_304 : vector<16x1xf32>
    %add3A_306 = vector.broadcast %sub3A_303 : vector<1x1xf32> to vector<16x1xf32>
    %add3A_307 = arith.addf %mul3A_305, %add3A_306 : vector<16x1xf32>
    %neg3A = arith.constant 0.000000e+00 : f32
    %neg3A_308 = vector.broadcast %neg3A : f32 to vector<16x1xf32>
    %neg3A_309 = arith.subf %neg3A_308, %add3A_307 : vector<16x1xf32>
    %exp3A = math.exp %neg3A_309 : vector<16x1xf32>
    %add3A_310 = arith.constant 1.000000e+00 : f32
    %add3A_311 = vector.broadcast %add3A_310 : f32 to vector<16x1xf32>
    %add3A_312 = arith.addf %add3A_311, %exp3A : vector<16x1xf32>
    %div3A_313 = arith.constant 1.000000e+00 : f32
    %div3A_314 = vector.broadcast %div3A_313 : f32 to vector<16x1xf32>
    %div3A_315 = arith.divf %div3A_314, %add3A_312 : vector<16x1xf32>
    %swap3A = arith.constant 0 : index
    %swap3A_316 = arith.constant 0 : index
    %swap3A_317 = vector.load %arg35[%swap3A, %swap3A_316] : memref<16x1xf32, #tpu.memory_space<vmem>>, vector<16x1xf32>
    tpu.vector_store %arg35[%swap3A, %swap3A_316], %div3A_315 {strides = array<i32>} : memref<16x1xf32, #tpu.memory_space<vmem>>, vector<16x1xf32>,
    return
  }
}

</mosaic_0001>

<sc_bundles>
// kernel: kernel.5.cloned.1.call-start
scs
__scs_entry_jumppad:
0x0: {  	(pc) =	sbr.rel $0x88, $3  }
0x1: {  	(tag) =	ssettag $0x0;
	lr =	simm.s32 $0x1  }
0x2: {  	[smem:$0x3F7E] =	sst lr;
	_ =	strace $0xD0000000  }
0x3: {  	_ = 	snop  }
0x4: {  	_ = 	snop  }
0x5: {  	_ = 	snop  }
0x6: {  	_ = 	snop  }
0x7: {  	_ = 	snop  }
__scs_overlays_trampoline_lowered:
0x8: {  	[smem:$0x3F8D] =	sst s0  }
0x9: {  	[smem:$0x3F8E] =	sst s1  }
0xa: {  	[smem:$0x3F8F] =	sst s2  }
0xb: {  	[smem:$0x3F90] =	sst s3  }
0xc: {  	[smem:$0x3F91] =	sst s4  }
0xd: {  	[smem:$0x3F92] =	sst s5  }
0xe: {  	[smem:$0x3F93] =	sst s6  }
0xf: {  	[smem:$0x3F94] =	sst s7  }
0x10: {  	[smem:$0x3F95] =	sst s8  }
0x11: {  	[smem:$0x3F96] =	sst s9;
	s0 =	simm.s32 @!p0 $0x0  }
0x12: {  	s1 =	sld [smem:$0x3F7C];
	s0 =	simm.s32 @p0 $0x1  }
0x13: {  	[smem:$0x3F97] =	sst s0;
	s0 =	simm.s32 @!p1 $0x0  }
0x14: {  	s2 =	sld [smem:$0x3F7B];
	s0 =	simm.s32 @p1 $0x1  }
0x15: {  	[smem:$0x3F98] =	sst s0;
	s0 =	simm.s32 @!p2 $0x0  }
0x16: {  	s3 =	sld [smem:$0x3FDB];
	s0 =	simm.s32 @p2 $0x1  }
0x17: {  	s4 =	simm.s32 $0x1BF5;
	[smem:$0x3F9A] =	sst s0  }
0x18: {  	s0 =	sld [smem:$0x3F7D];
	_ =	swait.ge [sflag:s4], $0x0  }
0x19: {  	s7 =	sld [smem:$0x3F7E]  }
0x1a: {  	s8 =	sadd.s32 $0xFFFFE003, lr  }
0x1b: {  	s9 =	sadd.s32 $0xFFFFFEF7, lr;
	s5 =	simm.s32 $0xFFFFFFFF;
	p2 =	slt.u32 s8, $0xFFFFF086  }
0x1c: {  	p1 =	slt.u32 s9, $0xF7A;
	s5 =	simm.s32 @!p2 $0x0  }
0x1d: {  	s5 =	simm.s32 @p1 $0x1;
	p0 =	seq.s32 s7, s2  }
0x1e: {  	s7 =	smul.u32 @!p0 $0xF7A, s2;
	p2 =	seq.s32 @!p0 s5, $0x0  }
0x1f: {  	s9 =	smul.u32 $0xF7A, s1;
	s8 =	simm.s32 @!p0 $0x1BF5;
	p2 =	por !p2, p0  }
0x20: {  	[sflag:s8] =	ssyncset.s32 @!p0 $0xFFFFF086;
	s6 =	sadd.s32 @!p0 s3, s7;
	s7 =	simm.s32 @!p0 $0x108  }
0x21: {  	s3 =	sadd.s32 s3, s9;
	s6 =	sadd.s32 @!p0 $0x88, s6;
	s7 =	simm.s32 @p2 $0x1082  }
0x22: {  	[simem:s7], [sflag:s8] =	dma.local @!p0 [hbm:s6], $0xF7A  }
0x23: {  	s9 =	sor.u32 $0xD0000000, s2;
	s6 =	simm.s32 $0x108;
	_ =	swait.ge @!p0 [sflag:s8], $0x0  }
0x24: {  	s3 =	sadd.s32 $0x88, s3;
	s6 =	simm.s32 @!p1 $0x1082;
	[sflag:s4] =	ssyncset.s32 $0xFFFFF086  }
0x25: {  	[simem:s6], [sflag:s4] =	dma.local [hbm:s3], $0xF7A  }
0x26: {  	[smem:$0x3F7E] =	sst s1;
	(tag) =	ssettag s2;
	_ =	strace s9  }
0x27: {  	s1 =	sld [smem:$0x3F8E]  }
0x28: {  	s2 =	sld [smem:$0x3F8F]  }
0x29: {  	s4 =	sld [smem:$0x3F91]  }
0x2a: {  	p0 =	seq.s32 s5, $0x0;
	s5 =	sld [smem:$0x3F92]  }
0x2b: {  	s6 =	sld [smem:$0x3F93]  }
0x2c: {  	s7 =	sld [smem:$0x3F94]  }
0x2d: {  	s3 =	simm.s32 $0x108;
	s8 =	sld [smem:$0x3F95]  }
0x2e: {  	s3 =	simm.s32 @!p0 $0x1082;
	s9 =	sld [smem:$0x3F96]  }
0x2f: {  	lr =	sadd.s32 s0, s3;
	s0 =	sld [smem:$0x3F8D]  }
0x30: {  	s3 =	sld [smem:$0x3F90]  }
0x31: {  	[smem:$0x3F99] =	sst s10  }
0x32: {  	s10 =	sld [smem:$0x3F97];
	_ =	sdelay $0x3  }
0x33: {  	p0 =	seq.s32 s10, $0x1;
	s10 =	sld [smem:$0x3F99];
	_ =	sdelay $0x3  }
0x34: {  	[smem:$0x3F99] =	sst s10  }
0x35: {  	s10 =	sld [smem:$0x3F98];
	_ =	sdelay $0x3  }
0x36: {  	p1 =	seq.s32 s10, $0x1;
	s10 =	sld [smem:$0x3F99];
	_ =	sdelay $0x3  }
0x37: {  	[smem:$0x3F99] =	sst s10  }
0x38: {  	s10 =	sld [smem:$0x3F9A]  }
0x39: {  	_ = 	snop;
	(pc) =	sbr.ind lr, $3  }
0x3a: {  	_ = 	snop  }
0x3b: {  	_ = 	snop  }
0x3c: {  	p2 =	seq.s32 s10, $0x1;
	s10 =	sld [smem:$0x3F99]  }
0x3d: {  	_ =	shalt  }
0x3e: {  	_ =	shalt  }
0x3f: {  	_ =	shalt  }
0x40: {  	_ =	shalt  }
0x41: {  	_ =	shalt  }
0x42: {  	_ =	shalt  }
0x43: {  	_ =	shalt  }
0x44: {  	_ =	shalt  }
0x45: {  	_ =	shalt  }
0x46: {  	_ =	shalt  }
0x47: {  	_ =	shalt  }
0x48: {  	_ =	shalt  }
0x49: {  	_ =	shalt  }
0x4a: {  	_ =	shalt  }
0x4b: {  	_ =	shalt  }
0x4c: {  	_ =	shalt  }
0x4d: {  	_ =	shalt  }
0x4e: {  	_ =	shalt  }
0x4f: {  	_ =	shalt  }
0x50: {  	_ =	shalt  }
0x51: {  	_ =	shalt  }
0x52: {  	_ =	shalt  }
0x53: {  	_ =	shalt  }
0x54: {  	_ =	shalt  }
0x55: {  	_ =	shalt  }
0x56: {  	_ =	shalt  }
0x57: {  	_ =	shalt  }
0x58: {  	_ =	shalt  }
0x59: {  	_ =	shalt  }
0x5a: {  	_ =	shalt  }
0x5b: {  	_ =	shalt  }
0x5c: {  	_ =	shalt  }
0x5d: {  	_ =	shalt  }
0x5e: {  	_ =	shalt  }
0x5f: {  	_ =	shalt  }
0x60: {  	_ =	shalt  }
0x61: {  	_ =	shalt  }
0x62: {  	_ =	shalt  }
0x63: {  	_ =	shalt  }
0x64: {  	_ =	shalt  }
0x65: {  	_ =	shalt  }
0x66: {  	_ =	shalt  }
0x67: {  	_ =	shalt  }
0x68: {  	_ =	shalt  }
0x69: {  	_ =	shalt  }
0x6a: {  	_ =	shalt  }
0x6b: {  	_ =	shalt  }
0x6c: {  	_ =	shalt  }
0x6d: {  	_ =	shalt  }
0x6e: {  	_ =	shalt  }
0x6f: {  	_ =	shalt  }
0x70: {  	_ =	shalt  }
0x71: {  	_ =	shalt  }
0x72: {  	_ =	shalt  }
0x73: {  	_ =	shalt  }
0x74: {  	_ =	shalt  }
0x75: {  	_ =	shalt  }
0x76: {  	_ =	shalt  }
0x77: {  	_ =	shalt  }
0x78: {  	_ =	shalt  }
0x79: {  	_ =	shalt  }
0x7a: {  	_ =	shalt  }
0x7b: {  	_ =	shalt  }
0x7c: {  	_ =	shalt  }
0x7d: {  	_ =	shalt  }
0x7e: {  	_ =	shalt  }
0x7f: {  	_ =	shalt  }
0x80: {  	_ =	shalt  }
0x81: {  	_ =	shalt  }
0x82: {  	_ =	shalt  }
0x83: {  	_ =	shalt  }
0x84: {  	_ =	shalt  }
0x85: {  	_ =	shalt  }
0x86: {  	_ =	shalt  }
0x87: {  	_ =	shalt  }
.Lfunc_end0:
.L_simem_size_0:
called_computation_lowered:
.L_overlay_start_0:
0x88: {  	s2 =	sld [smem:$0x3FD9]  }
0x89: {  	s3 =	sld [smem:$0x3FFE];
	_ =	sdelay $0x1  }
0x8a: {  	s1 =	srdreg.scid  }
0x8b: {  	s0 =	sand.u32 $0x1, s1  }
0x8c: {  	s16 =	sshll.u32 s0, $0xA;
	s2 =	sadd.s32 s3, s2  }
0x8d: {  	s2 =	sadd.s32 s2, s16  }
0x8e: {  	[smem:$0x3FA5] =	sst s2  }
0x8f: {  	_ = 	snop  }
0x90: {  	(tm) =	ssettm $0x1  }
0x91: {  	s17 =	sld [smem:$0x3FFB];
	_ =	sdelay $0x3  }
0x92: {  	_ =	strace s17  }
0x93: {  	s2 =	sld [smem:$0x3FFC];
	_ =	sdelay $0x3  }
0x94: {  	_ =	strace s2  }
0x95: {  	s2 =	sld [smem:$0x3FFD];
	_ =	sdelay $0x3  }
0x96: {  	_ =	strace s2  }
0x97: {  	_ =	strace $0x8FFFFFFF  }
0x98: {  	s18 =	sld [smem:$0x3FDB];
	_ =	sdelay $0x1  }
0x99: {  	s19 =	simm.s32 $_scs_section_size  }
0x9a: {  	s4 =	simm.s32 $_size__tile_overlayer_lowered;
	s5 =	simm.s32 $_tile_overlayer_lowered  }
0x9b: {  	s22 =	simm.s32 $0x1BFF;
	s21 =	sshll.u32 s5, $0x1;
	s2 =	sadd.s32 s19, s18  }
0x9c: {  	s6 =	simm.s32 $0x0;
	s20 =	sshll.u32 s4, $0x1;
	s4 =	sadd.s32 s21, s2  }
0x9d: {  	[timem:s6], [sflag:s22] =	dma.local [hbm:s4], s20  }
0x9e: {  	_ =	swait.ge [sflag:s22], s20  }
0x9f: {  	s3 =	ssub.s32 $0x0, s20;
	[sflag:s22] =	ssyncset.done $0x0  }
0xa0: {  	[sflag:s22] =	ssyncadd.s32 s3;
	_ =	sdelay $0x1  }
0xa1: {  	s23 =	simm.s32 $0x1B8B  }
0xa2: {  	_ =	swait.ge [sflag:s23], $0x1  }
0xa3: {  	[sflag:s23] =	ssyncset.done $0x0  }
0xa4: {  	s25 =	simm.s32 $0x1B8E;
	s24 =	sld [smem:$0x3FFE];
	[sflag:s23] =	ssyncadd.s32 $0xFFFFFFFF  }
0xa5: {  	s26 =	simm.s32 $execute0_lowered;
	[smem:$0x3FD2] =	sst s25  }
0xa6: {  	s4 =	sshll.u32 s26, $0x1;
	_ =	strace $0x80000046;
	[dreg:$0x1] =	wrdreg $0xFFFFFFFF  }
0xa7: {  	s28 =	simm.s32 $_size_execute0_lowered;
	s2 =	sadd.s32 s2, s4;
	[dreg:$0x0] =	wrdreg $0x0  }
0xa8: {  	s4 =	sshll.u32 s28, $0x1;
	[dreg:$0x2] =	wrdreg s2  }
0xa9: {  	[dreg:$0x3] =	wrdreg s4  }
0xaa: {  	[dreg:$0x4] =	wrdreg $0xC0  }
0xab: {  	_ =	task [dreg:s6], $0x5FFFF  }
0xac: {  	[dreg:$0x1] =	wrdreg $0xFFFFFFFF  }
0xad: {  	[dreg:$0x0] =	wrdreg $0x60  }
0xae: {  	[dreg:$0x2] =	wrdreg s24  }
0xaf: {  	[dreg:$0x3] =	wrdreg $0x9  }
0xb0: {  	_ =	task.clear_ibuf [dreg:s6], $0x4FFFF;
	_ =	strace $0x90000046  }
0xb1: {  	s29 =	simm.s32 $0x9;
	_ =	strace $0x80000048  }
0xb2: {  	_ =	swait.ge [sflag:s29], $0x1  }
0xb3: {  	[sflag:s29] =	ssyncadd.s32 $0xFFFFFFFF  }
0xb4: {  	_ =	strace $0x90000048  }
0xb5: {  	_ =	sfence  }
0xb6: {  	s30 =	sld [smem:$0x0];
	_ =	sdelay $0x2  }
0xb7: {  	s31 =	sshll.u32 s1, $0xD;
	s1 =	sshrl.u32 s1, $0x2  }
0xb8: {  	s3 =	sand.u32 $0x4000, s31;
	s1 =	sadd.s32 s1, s30  }
0xb9: {  	s0 =	sor.u32 s3, s0;
	s1 =	sshll.u32 s1, $0x11  }
0xba: {  	s0 =	sor.u32 s1, s0  }
0xbb: {  	s0 =	sadd.s32 $0x8F2B, s0  }
0xbc: {  	[sflag:s0] =	ssyncadd.remote.s32 $0x1  }
0xbd: {  	_ =	sfence.sel $0xFFFF  }
0xbe: {  	[dreg:$0x0] =	wrdreg $0xFFFFFFFF;
	(pc) =	sbr.abs _section_cstart, $3  }
0xbf: {  	[dreg:$0x1] =	wrdreg $0xFFFFFFFF  }
0xc0: {  	_ =	task.clear_ibuf [dreg:s6], $0x2FFFF;
	_ =	strace $0x9FFFFFFF  }
0xc1: {  	(tm) =	ssettm $0x7FFFFFFF  }
tec
execute0_lowered:
.L_overlay_start_1:
0x0: {  	(tag) =	ssettag $0x1  }
0x1: {  	s1 =	srdreg.scid  }
0x2: {  	s0 =	stileid.u32;
	s10 =	sand.u32 $0x1, s1  }
0x3: {  	s8 =	rddreg [dreg:$0x0];
	s3 =	sshll.u32 s0, $0xB;
	s4 =	sshll.u32 s10, $0xA  }
0x4: {  	s2 =	simm.s32 $0x0;
	s1 =	rddreg [dreg:$0x1];
	s9 =	sor.u32 s4, s3  }
0x5: {  	[smem:$0x7FF] =	sst s2;
	s11 =	sadd.s32 $0x4400, s8;
	s3 =	sshrl.u32 s9, $0x3  }
0x6: {  	_ =	strace $0x80000047;
	s4 =	sadd.s32 s11, s3;
	s3 =	simm.s32 $0x2  }
0x7: {  	[tilespmem:s2], [sflag:$0x2] =	stream.linear.gather [hbm4b:s4+s2], $0x200, $0x38;
	[tilespmem:$0x10200] =	vst v63  }
0x8: {  	_ =	swait.ge [sflag:s3], $0x200  }
0x9: {  	s6 =	simm.s32 $0x200;
	[sflag:s3] =	ssyncset.done $0x0  }
0xa: {  	s7 =	simm.s32 $0x1;
	s5 =	sadd.s32 $0x5400, s8;
	[sflag:s3] =	ssyncadd.s32 $0xFFFFFE00  }
0xb: {  	[tilespmem:s6], [sflag:$0x1] =	stream.indirect.gather [hbm4b:s5+s6], $0x80, s2, s6, $0xb8;
	[tilespmem:$0x10200] =	vst v63  }
0xc: {  	_ =	swait.ge [sflag:s7], $0x10000  }
0xd: {  	s12 =	sadd.s32 $0x25400, s8;
	s29 =	sshll.u32 s9, $0x4;
	[sflag:s7] =	ssyncset.done $0x0  }
0xe: {  	s8 =	sadd.s32 s12, s29;
	[sflag:s7] =	ssyncadd.s32 $0xFFFF0000  }
0xf: {  	[hbm4b:s8+s2] =	stream.linear.scatter [tilespmem:s6], [sflag:$0x2], $0x10000, $0x38;
	[tilespmem:$0x10200] =	vst v63  }
0x10: {  	s13 =	sor.u32 $0x200, s9;
	_ =	swait.ge [sflag:s3], $0x10000  }
0x11: {  	s9 =	sshrl.u32 s13, $0x3;
	[sflag:s3] =	ssyncset.done $0x0  }
0x12: {  	s10 =	ssub.s32 $0x2, s10;
	s9 =	sadd.s32 s11, s9;
	[sflag:s3] =	ssyncadd.s32 $0xFFFF0000  }
0x13: {  	[tilespmem:s2], [sflag:$0x2] =	stream.linear.gather [hbm4b:s9+s2], $0x200, $0x38;
	[tilespmem:$0x10200] =	vst v63  }
0x14: {  	s30 =	sshrl.u32 s10, $0x1;
	_ =	swait.ge [sflag:s3], $0x200  }
0x15: {  	s11 =	ssub.s32 s10, s30;
	[sflag:s3] =	ssyncset.done $0x0  }
0x16: {  	s11 =	smax.u32 s11, $0x1;
	[sflag:s3] =	ssyncadd.s32 $0xFFFFFE00  }
0x17: {  	[tilespmem:s6], [sflag:$0x1] =	stream.indirect.gather [hbm4b:s5+s6], $0x80, s2, s6, $0xb8;
	[tilespmem:$0x10200] =	vst v63  }
0x18: {  	p0 =	sne.s32 s11, $0x1;
	_ =	swait.ge [sflag:s7], $0x10000  }
.Ltmp0:
0x19: {  	s31 =	sshll.u32 s13, $0x4;
	[sflag:s7] =	ssyncset.done $0x0;
	(pc) =	sbr.rel @!p0 .LBB2_2-.Ltmp0, $4  }
0x1a: {  	s10 =	sadd.s32 s12, s31;
	[sflag:s7] =	ssyncadd.s32 $0xFFFF0000  }
0x1b: {  	[hbm4b:s10+s2] =	stream.linear.scatter [tilespmem:s6], [sflag:$0x2], $0x10000, $0x38;
	[tilespmem:$0x10200] =	vst v63  }
0x1c: {  	_ =	swait.ge [sflag:s3], $0x10000  }
0x1d: {  	s11 =	sadd.s32 $0xFFFFFFFF, s11;
	[sflag:s3] =	ssyncset.done $0x0  }
.LBB2_1:
0x1e: {  	p0 =	sne.s32 s11, $0x1;
	s11 =	sadd.s32 $0xFFFFFFFF, s11;
	[sflag:s3] =	ssyncadd.s32 $0xFFFF0000  }
0x1f: {  	[tilespmem:s2], [sflag:$0x2] =	stream.linear.gather [hbm4b:s4+s2], $0x200, $0x38;
	[tilespmem:$0x10200] =	vst v63  }
0x20: {  	_ =	swait.ge [sflag:s3], $0x200  }
0x21: {  	[sflag:s3] =	ssyncset.done $0x0  }
0x22: {  	[sflag:s3] =	ssyncadd.s32 $0xFFFFFE00  }
0x23: {  	[tilespmem:s6], [sflag:$0x1] =	stream.indirect.gather [hbm4b:s5+s6], $0x80, s2, s6, $0xb8;
	[tilespmem:$0x10200] =	vst v63  }
0x24: {  	_ =	swait.ge [sflag:s7], $0x10000  }
0x25: {  	[sflag:s7] =	ssyncset.done $0x0  }
0x26: {  	[sflag:s7] =	ssyncadd.s32 $0xFFFF0000  }
0x27: {  	[hbm4b:s8+s2] =	stream.linear.scatter [tilespmem:s6], [sflag:$0x2], $0x10000, $0x38;
	[tilespmem:$0x10200] =	vst v63  }
0x28: {  	_ =	swait.ge [sflag:s3], $0x10000  }
0x29: {  	[sflag:s3] =	ssyncset.done $0x0  }
0x2a: {  	[sflag:s3] =	ssyncadd.s32 $0xFFFF0000  }
0x2b: {  	[tilespmem:s2], [sflag:$0x2] =	stream.linear.gather [hbm4b:s9+s2], $0x200, $0x38;
	[tilespmem:$0x10200] =	vst v63  }
0x2c: {  	_ =	swait.ge [sflag:s3], $0x200  }
0x2d: {  	[sflag:s3] =	ssyncset.done $0x0  }
0x2e: {  	[sflag:s3] =	ssyncadd.s32 $0xFFFFFE00  }
0x2f: {  	[tilespmem:s6], [sflag:$0x1] =	stream.indirect.gather [hbm4b:s5+s6], $0x80, s2, s6, $0xb8;
	[tilespmem:$0x10200] =	vst v63  }
0x30: {  	_ =	swait.ge [sflag:s7], $0x10000  }
.Ltmp1:
0x31: {  	[sflag:s7] =	ssyncset.done $0x0;
	(pc) =	sbr.rel @p0 .LBB2_1-.Ltmp1, $4  }
0x32: {  	[sflag:s7] =	ssyncadd.s32 $0xFFFF0000  }
0x33: {  	[hbm4b:s10+s2] =	stream.linear.scatter [tilespmem:s6], [sflag:$0x2], $0x10000, $0x38;
	[tilespmem:$0x10200] =	vst v63  }
0x34: {  	_ =	swait.ge [sflag:s3], $0x10000  }
0x35: {  	[sflag:s3] =	ssyncset.done $0x0  }
.LBB2_2:
0x36: {  	[sflag:s3] =	ssyncadd.s32 $0xFFFF0000  }
0x37: {  	_ =	sfence.sel $0x180000  }
0x38: {  	[bflag:$0x0] =	sbarrier.arrive $0xFFFF  }
0x39: {  	p0 =	sne.s32 s0, $0x0;
	_ =	strace $0x90000047  }
0x3a: {  	s0 =	sadd.s32 @!p0 $0x100000, s1;
	[bflag:$0x2] =	sbarrier.arrive $0xFFFF  }
0x3b: {  	[sflag:s0] =	ssyncadd.tile.s32 @!p0 $0x1;
	_ =	shalt  }
.Lfunc_end2:
_tile_overlayer_lowered:
.L_overlay_start_2:
0x3c: {  	(tag) =	ssettag $0x2  }
0x3d: {  	s0 =	rddreg [dreg:$0x0];
	s2 =	stileid.u32  }
0x3e: {  	s1 =	rddreg [dreg:$0x1];
	p0 =	sne.s32 s2, $0x0  }
0x3f: {  	s3 =	rddreg [dreg:$0x2];
	[bflag:$0x3] =	sbarrier.arrive $0xFFFF;
	s2 =	simm.s32 @!p0 $0x1C02  }
0x40: {  	[timem:s3], [sflag:s2] =	dma.local @!p0 [hbm:s0], s1  }
0x41: {  	s0 =	simm.s32 @!p0 $0x2  }
0x42: {  	_ =	swait.ge @!p0 [sflag:s0], s1  }
0x43: {  	s1 =	ssub.s32 @!p0 $0x0, s1;
	[sflag:s0] =	ssyncset.done @!p0 $0x0  }
0x44: {  	[sflag:s0] =	ssyncadd.s32 @!p0 s1  }
0x45: {  	[bflag:$0x3] =	sbarrier.arrive $0xFFFF  }
0x46: {  	_ =	shalt  }

</sc_bundles>
